<compile_context>
chip_gen: v7x
topology: tpu7x:2x2x1
jax: 0.10.2.dev20260603
libtpu: 0.0.44.dev20260713+nightly
codegen_flags: <defaults>
</compile_context>

<pallas_src>
import functools

import jax
import jax.numpy as jnp
from jax import lax
from jax.experimental import pallas as pl
from jax.experimental.pallas import tpu as pltpu
from jax.experimental.pallas import tpu_sc as plsc

N_NODES = 100000
D = 128
NUM_TYPES = 64

_info = plsc.get_sparse_core_info()
NC, NS = _info.num_cores, _info.num_subcores
NW = NC * NS

MAIN = (N_NODES // (8 * NW)) * (8 * NW)
B_W = MAIN // NW
CHUNK = 104
N_CHUNKS = B_W // CHUNK
NBUF = 5
N_ROUNDS = N_CHUNKS // NBUF
TAIL = N_NODES - MAIN
TAIL_STEP = 8
TAIL_W = TAIL // TAIL_STEP

_mesh = plsc.VectorSubcoreMesh(core_axis_name="c", subcore_axis_name="s")


@functools.partial(
    pl.kernel,
    mesh=_mesh,
    out_type=(
        jax.ShapeDtypeStruct((N_NODES, D), jnp.float32),
        jax.ShapeDtypeStruct((N_NODES, D), jnp.float32),
    ),
    scratch_types=[
        pltpu.VMEM((B_W,), jnp.int32),
        pltpu.VMEM((TAIL_STEP,), jnp.int32),
    ] + [pltpu.VMEM((CHUNK, D), jnp.float32) for _ in range(NBUF)] + [
        pltpu.VMEM_SHARED((NUM_TYPES, D), jnp.float32),
    ] + [pltpu.SemaphoreType.DMA for _ in range(2 * NBUF)],
)
def _embed(idx_hbm, table_hbm, out0_hbm, out1_hbm, idx_v, tidx_v, *rest):
    bufs = rest[:NBUF]
    table_sh = rest[NBUF]
    gsem = rest[NBUF + 1:NBUF + 1 + NBUF]
    ssem = rest[NBUF + 1 + NBUF:]
    wid = lax.axis_index("s") * NC + lax.axis_index("c")
    base = wid * B_W

    @pl.when(lax.axis_index("s") == 0)
    def _stage():
        pltpu.sync_copy(table_hbm, table_sh)
    pltpu.sync_copy(idx_hbm.at[pl.ds(base, B_W)], idx_v)
    plsc.subcore_barrier()

    outs = (out0_hbm, out1_hbm)

    def gather_start(c, b):
        pltpu.async_copy(
            table_sh.at[idx_v.at[pl.ds(c * CHUNK, CHUNK)]], bufs[b], gsem[b]
        )

    def gather_wait(b):
        pltpu.make_async_copy(
            table_sh.at[idx_v.at[pl.ds(0, CHUNK)]], bufs[b], gsem[b]
        ).wait()

    def store_start(c, b):
        for o in outs:
            pltpu.async_copy(
                bufs[b], o.at[pl.ds(base + c * CHUNK, CHUNK)], ssem[b]
            )

    def store_wait(b):
        for o in outs:
            pltpu.make_async_copy(
                bufs[b], o.at[pl.ds(base, CHUNK)], ssem[b]
            ).wait()

    def body(r, carry):
        for b in range(NBUF):
            @pl.when(r > 0)
            def _(b=b):
                store_wait(b)
            gather_start(r * NBUF + b, b)
        for b in range(NBUF):
            gather_wait(b)
            store_start(r * NBUF + b, b)
        return carry

    lax.fori_loop(0, N_ROUNDS, body, 0)
    for b in range(NBUF):
        store_wait(b)

    @pl.when(wid < TAIL_W)
    def _tail():
        tb = MAIN + wid * TAIL_STEP
        pltpu.sync_copy(idx_hbm.at[pl.ds(tb, TAIL_STEP)], tidx_v)
        pltpu.async_copy(
            table_sh.at[tidx_v], bufs[0].at[pl.ds(0, TAIL_STEP)], gsem[0]
        ).wait()
        for o in outs:
            pltpu.sync_copy(
                bufs[0].at[pl.ds(0, TAIL_STEP)], o.at[pl.ds(tb, TAIL_STEP)]
            )


def kernel(atom_types, embed_table):
    idx = atom_types.reshape(-1)
    out0, out1 = _embed(idx, embed_table)
    return (out0, out1)

# --- scband reference (transcript-rebuilt; emitter-appended) ---
"""Pipeline reference for scband-node-type-embed-50697793962080 (READ-ONLY COPY).

The authoritative reference and input builder live on the scoring server;
editing this copy changes nothing except your own understanding.
"""

import jax, jax.numpy as jnp
import numpy as np

NUM_TYPES = 64
NUM_FEATURES = 128
N_NODES = 100000

def setup_inputs(seed: int = 0) -> dict:
    key = jax.random.key(seed)
    k1, k2 = jax.random.split(key)
    atom_types = jax.random.randint(k1, (N_NODES, 1), 0, NUM_TYPES, dtype=jnp.int64 if jax.config.read('jax_enable_x64') else jnp.int32)
    # torch.nn.Embedding default init: N(0, 1)
    embed_table = jax.random.normal(k2, (NUM_TYPES, NUM_FEATURES), dtype=jnp.float32)
    return {"atom_types": atom_types, "embed_table": embed_table}

def reference(atom_types, embed_table):
    # forward: type_numbers = data[ATOM_TYPE_KEY].view(-1); embedding = embed_module(type_numbers)
    type_numbers = atom_types.reshape(-1)
    embedding = jnp.take(embed_table, type_numbers, axis=0)
    # data[NODE_ATTRS_KEY] = embedding; data[NODE_FEATURES_KEY] = embedding (set_features=True)
    return (embedding, embedding)

if __name__ == "__main__":
    import jax
    _d = setup_inputs()
    print(jax.jit(kernel)(*tuple(_d.values())))

</pallas_src>

<mosaic_0001>
#map = affine_map<(d0, d1) -> (0)>
#map1 = affine_map<(d0, d1) -> (0, 0)>
module attributes {stable_mosaic.version = 14 : i64} {
  func.func @_embed(%arg0: i32, %arg1: i32, %arg2: memref<100000xi32, #tpu.memory_space<hbm>>, %arg3: memref<64x128xf32, #tpu.memory_space<hbm>>, %arg4: memref<100000x128xf32, #tpu.memory_space<hbm>>, %arg5: memref<100000x128xf32, #tpu.memory_space<hbm>>, %arg6: memref<3120xi32, #tpu.memory_space<vmem>>, %arg7: memref<8xi32, #tpu.memory_space<vmem>>, %arg8: memref<104x128xf32, #tpu.memory_space<vmem>>, %arg9: memref<104x128xf32, #tpu.memory_space<vmem>>, %arg10: memref<104x128xf32, #tpu.memory_space<vmem>>, %arg11: memref<104x128xf32, #tpu.memory_space<vmem>>, %arg12: memref<104x128xf32, #tpu.memory_space<vmem>>, %arg13: memref<64x128xf32, #tpu.memory_space<vmem_shared>>, %arg14: memref<!tpu.dma_semaphore, #tpu.memory_space<semaphore_mem>>, %arg15: memref<!tpu.dma_semaphore, #tpu.memory_space<semaphore_mem>>, %arg16: memref<!tpu.dma_semaphore, #tpu.memory_space<semaphore_mem>>, %arg17: memref<!tpu.dma_semaphore, #tpu.memory_space<semaphore_mem>>, %arg18: memref<!tpu.dma_semaphore, #tpu.memory_space<semaphore_mem>>, %arg19: memref<!tpu.dma_semaphore, #tpu.memory_space<semaphore_mem>>, %arg20: memref<!tpu.dma_semaphore, #tpu.memory_space<semaphore_mem>>, %arg21: memref<!tpu.dma_semaphore, #tpu.memory_space<semaphore_mem>>, %arg22: memref<!tpu.dma_semaphore, #tpu.memory_space<semaphore_mem>>, %arg23: memref<!tpu.dma_semaphore, #tpu.memory_space<semaphore_mem>>) attributes {dimension_semantics = [#tpu.dimension_semantics<core_parallel>, #tpu.dimension_semantics<subcore_parallel>], iteration_bounds = array<i64: 2, 16>, scalar_prefetch = 0 : i64, scratch_operands = 18 : i64, tpu.core_type = #tpu.core_type<sc_vector_subcore>, window_params = [{transform_indices = #map}, {transform_indices = #map1}, {transform_indices = #map1}, {transform_indices = #map1}]} {
    %mul3A = arith.constant 2 : i32
    %mul3A_0 = arith.muli %arg1, %mul3A : i32
    %add3A = arith.addi %mul3A_0, %arg0 : i32
    %mul3A_1 = arith.constant 3120 : i32
    %mul3A_2 = arith.muli %add3A, %mul3A_1 : i32
    %eq3A = arith.constant 0 : i32
    %eq3A_3 = arith.cmpi eq, %arg1, %eq3A : i32
    %convert_element_type3A = arith.extui %eq3A_3 : i1 to i32
    %cond3A = arith.constant 0 : i32
    %cond3A_4 = arith.cmpi ne, %convert_element_type3A, %cond3A : i32
    scf.if %cond3A_4 {
      "tpu.region"() ({
        %run_scoped3A = tpu.sem_alloc : memref<!tpu.dma_semaphore, #tpu.memory_space<semaphore_mem>>
        tpu.enqueue_dma source(%arg3 : memref<64x128xf32, #tpu.memory_space<hbm>>) target(%arg13 : memref<64x128xf32, #tpu.memory_space<vmem_shared>>) target_semaphore(%run_scoped3A : memref<!tpu.dma_semaphore, #tpu.memory_space<semaphore_mem>>)
        tpu.wait_dma2 semaphore(%run_scoped3A : memref<!tpu.dma_semaphore, #tpu.memory_space<semaphore_mem>>) src(%arg3 : memref<64x128xf32, #tpu.memory_space<hbm>>) dst(%arg13 : memref<64x128xf32, #tpu.memory_space<vmem_shared>>)
        tpu.yield
      }) : () -> ()
    } else {
    }
    "tpu.region"() ({
      %run_scoped3A = tpu.sem_alloc : memref<!tpu.dma_semaphore, #tpu.memory_space<semaphore_mem>>
      %dma_start3A = tpu.memref_slice %arg2[%mul3A_2] : memref<100000xi32, #tpu.memory_space<hbm>> -> memref<3120xi32, #tpu.memory_space<hbm>>
      %dma_start3A_53 = tpu.memref_slice %arg2[%mul3A_2] : memref<100000xi32, #tpu.memory_space<hbm>> -> memref<3120xi32, #tpu.memory_space<hbm>>
      tpu.enqueue_dma source(%dma_start3A_53 : memref<3120xi32, #tpu.memory_space<hbm>>) target(%arg6 : memref<3120xi32, #tpu.memory_space<vmem>>) target_semaphore(%run_scoped3A : memref<!tpu.dma_semaphore, #tpu.memory_space<semaphore_mem>>)
      %dma_wait3A_54 = tpu.memref_slice %arg2[%mul3A_2] : memref<100000xi32, #tpu.memory_space<hbm>> -> memref<3120xi32, #tpu.memory_space<hbm>>
      %dma_wait3A_55 = tpu.memref_slice %arg2[%mul3A_2] : memref<100000xi32, #tpu.memory_space<hbm>> -> memref<3120xi32, #tpu.memory_space<hbm>>
      tpu.wait_dma2 semaphore(%run_scoped3A : memref<!tpu.dma_semaphore, #tpu.memory_space<semaphore_mem>>) src(%dma_wait3A_55 : memref<3120xi32, #tpu.memory_space<hbm>>) dst(%arg6 : memref<3120xi32, #tpu.memory_space<vmem>>)
      tpu.yield
    }) : () -> ()
    %barrier3A = arith.constant 0 : index
    tpu.barrier barrier_id(%barrier3A)
    %scan3A = arith.constant 0 : i32
    %scan3A_5 = arith.constant 0 : i32
    %scan3A_6 = arith.constant 6 : i32
    %scan3A_7 = arith.addi %scan3A_5, %scan3A_6 : i32
    %scan3A_8 = arith.constant 1 : i32
    scf.for %scan3A_53 = %scan3A_5 to %scan3A_7 step %scan3A_8  : i32 {
      %gt3A = arith.constant 0 : i32
      %gt3A_54 = arith.cmpi sgt, %scan3A_53, %gt3A : i32
      %convert_element_type3A_55 = arith.extui %gt3A_54 : i1 to i32
      %cond3A_56 = arith.constant 0 : i32
      %cond3A_57 = arith.cmpi ne, %convert_element_type3A_55, %cond3A_56 : i32
      scf.if %cond3A_57 {
        %dma_wait3A_242 = arith.constant 0 : i32
        %dma_wait3A_243 = tpu.memref_slice %arg4[%mul3A_2, %dma_wait3A_242] : memref<100000x128xf32, #tpu.memory_space<hbm>> -> memref<104x128xf32, #tpu.memory_space<hbm>>
        %dma_wait3A_244 = arith.constant 0 : i32
        %dma_wait3A_245 = tpu.memref_slice %arg4[%mul3A_2, %dma_wait3A_244] : memref<100000x128xf32, #tpu.memory_space<hbm>> -> memref<104x128xf32, #tpu.memory_space<hbm>>
        tpu.wait_dma2 semaphore(%arg19 : memref<!tpu.dma_semaphore, #tpu.memory_space<semaphore_mem>>) src(%arg8 : memref<104x128xf32, #tpu.memory_space<vmem>>) dst(%dma_wait3A_245 : memref<104x128xf32, #tpu.memory_space<hbm>>)
        %dma_wait3A_246 = arith.constant 0 : i32
        %dma_wait3A_247 = tpu.memref_slice %arg5[%mul3A_2, %dma_wait3A_246] : memref<100000x128xf32, #tpu.memory_space<hbm>> -> memref<104x128xf32, #tpu.memory_space<hbm>>
        %dma_wait3A_248 = arith.constant 0 : i32
        %dma_wait3A_249 = tpu.memref_slice %arg5[%mul3A_2, %dma_wait3A_248] : memref<100000x128xf32, #tpu.memory_space<hbm>> -> memref<104x128xf32, #tpu.memory_space<hbm>>
        tpu.wait_dma2 semaphore(%arg19 : memref<!tpu.dma_semaphore, #tpu.memory_space<semaphore_mem>>) src(%arg8 : memref<104x128xf32, #tpu.memory_space<vmem>>) dst(%dma_wait3A_249 : memref<104x128xf32, #tpu.memory_space<hbm>>)
      } else {
      }
      %mul3A_58 = arith.constant 5 : i32
      %mul3A_59 = arith.muli %scan3A_53, %mul3A_58 : i32
      %add3A_60 = arith.constant 0 : i32
      %add3A_61 = arith.addi %mul3A_59, %add3A_60 : i32
      %mul3A_62 = arith.constant 104 : i32
      %mul3A_63 = arith.muli %add3A_61, %mul3A_62 : i32
      %dma_start3A = tpu.memref_slice %arg6[%mul3A_63] : memref<3120xi32, #tpu.memory_space<vmem>> -> memref<104xi32, #tpu.memory_space<vmem>>
      %dma_start3A_64 = arith.constant 0 : i32
      %dma_start3A_65 = arith.constant 0 : i32
      %dma_start3A_66 = tpu.memref_slice %arg13[%dma_start3A_64, %dma_start3A_65] : memref<64x128xf32, #tpu.memory_space<vmem_shared>> -> memref<64x128xf32, #tpu.memory_space<vmem_shared>>
      tpu.enqueue_indirect_dma source(%dma_start3A_66 : memref<64x128xf32, #tpu.memory_space<vmem_shared>>) target(%arg8 : memref<104x128xf32, #tpu.memory_space<vmem>>) offsets(%dma_start3A : memref<104xi32, #tpu.memory_space<vmem>>) semaphore(%arg14 : memref<!tpu.dma_semaphore, #tpu.memory_space<semaphore_mem>>)
      %gt3A_67 = arith.constant 0 : i32
      %gt3A_68 = arith.cmpi sgt, %scan3A_53, %gt3A_67 : i32
      %convert_element_type3A_69 = arith.extui %gt3A_68 : i1 to i32
      %cond3A_70 = arith.constant 0 : i32
      %cond3A_71 = arith.cmpi ne, %convert_element_type3A_69, %cond3A_70 : i32
      scf.if %cond3A_71 {
        %dma_wait3A_242 = arith.constant 0 : i32
        %dma_wait3A_243 = tpu.memref_slice %arg4[%mul3A_2, %dma_wait3A_242] : memref<100000x128xf32, #tpu.memory_space<hbm>> -> memref<104x128xf32, #tpu.memory_space<hbm>>
        %dma_wait3A_244 = arith.constant 0 : i32
        %dma_wait3A_245 = tpu.memref_slice %arg4[%mul3A_2, %dma_wait3A_244] : memref<100000x128xf32, #tpu.memory_space<hbm>> -> memref<104x128xf32, #tpu.memory_space<hbm>>
        tpu.wait_dma2 semaphore(%arg20 : memref<!tpu.dma_semaphore, #tpu.memory_space<semaphore_mem>>) src(%arg9 : memref<104x128xf32, #tpu.memory_space<vmem>>) dst(%dma_wait3A_245 : memref<104x128xf32, #tpu.memory_space<hbm>>)
        %dma_wait3A_246 = arith.constant 0 : i32
        %dma_wait3A_247 = tpu.memref_slice %arg5[%mul3A_2, %dma_wait3A_246] : memref<100000x128xf32, #tpu.memory_space<hbm>> -> memref<104x128xf32, #tpu.memory_space<hbm>>
        %dma_wait3A_248 = arith.constant 0 : i32
        %dma_wait3A_249 = tpu.memref_slice %arg5[%mul3A_2, %dma_wait3A_248] : memref<100000x128xf32, #tpu.memory_space<hbm>> -> memref<104x128xf32, #tpu.memory_space<hbm>>
        tpu.wait_dma2 semaphore(%arg20 : memref<!tpu.dma_semaphore, #tpu.memory_space<semaphore_mem>>) src(%arg9 : memref<104x128xf32, #tpu.memory_space<vmem>>) dst(%dma_wait3A_249 : memref<104x128xf32, #tpu.memory_space<hbm>>)
      } else {
      }
      %mul3A_72 = arith.constant 5 : i32
      %mul3A_73 = arith.muli %scan3A_53, %mul3A_72 : i32
      %add3A_74 = arith.constant 1 : i32
      %add3A_75 = arith.addi %mul3A_73, %add3A_74 : i32
      %mul3A_76 = arith.constant 104 : i32
      %mul3A_77 = arith.muli %add3A_75, %mul3A_76 : i32
      %dma_start3A_78 = tpu.memref_slice %arg6[%mul3A_77] : memref<3120xi32, #tpu.memory_space<vmem>> -> memref<104xi32, #tpu.memory_space<vmem>>
      %dma_start3A_79 = arith.constant 0 : i32
      %dma_start3A_80 = arith.constant 0 : i32
      %dma_start3A_81 = tpu.memref_slice %arg13[%dma_start3A_79, %dma_start3A_80] : memref<64x128xf32, #tpu.memory_space<vmem_shared>> -> memref<64x128xf32, #tpu.memory_space<vmem_shared>>
      tpu.enqueue_indirect_dma source(%dma_start3A_81 : memref<64x128xf32, #tpu.memory_space<vmem_shared>>) target(%arg9 : memref<104x128xf32, #tpu.memory_space<vmem>>) offsets(%dma_start3A_78 : memref<104xi32, #tpu.memory_space<vmem>>) semaphore(%arg15 : memref<!tpu.dma_semaphore, #tpu.memory_space<semaphore_mem>>)
      %gt3A_82 = arith.constant 0 : i32
      %gt3A_83 = arith.cmpi sgt, %scan3A_53, %gt3A_82 : i32
      %convert_element_type3A_84 = arith.extui %gt3A_83 : i1 to i32
      %cond3A_85 = arith.constant 0 : i32
      %cond3A_86 = arith.cmpi ne, %convert_element_type3A_84, %cond3A_85 : i32
      scf.if %cond3A_86 {
        %dma_wait3A_242 = arith.constant 0 : i32
        %dma_wait3A_243 = tpu.memref_slice %arg4[%mul3A_2, %dma_wait3A_242] : memref<100000x128xf32, #tpu.memory_space<hbm>> -> memref<104x128xf32, #tpu.memory_space<hbm>>
        %dma_wait3A_244 = arith.constant 0 : i32
        %dma_wait3A_245 = tpu.memref_slice %arg4[%mul3A_2, %dma_wait3A_244] : memref<100000x128xf32, #tpu.memory_space<hbm>> -> memref<104x128xf32, #tpu.memory_space<hbm>>
        tpu.wait_dma2 semaphore(%arg21 : memref<!tpu.dma_semaphore, #tpu.memory_space<semaphore_mem>>) src(%arg10 : memref<104x128xf32, #tpu.memory_space<vmem>>) dst(%dma_wait3A_245 : memref<104x128xf32, #tpu.memory_space<hbm>>)
        %dma_wait3A_246 = arith.constant 0 : i32
        %dma_wait3A_247 = tpu.memref_slice %arg5[%mul3A_2, %dma_wait3A_246] : memref<100000x128xf32, #tpu.memory_space<hbm>> -> memref<104x128xf32, #tpu.memory_space<hbm>>
        %dma_wait3A_248 = arith.constant 0 : i32
        %dma_wait3A_249 = tpu.memref_slice %arg5[%mul3A_2, %dma_wait3A_248] : memref<100000x128xf32, #tpu.memory_space<hbm>> -> memref<104x128xf32, #tpu.memory_space<hbm>>
        tpu.wait_dma2 semaphore(%arg21 : memref<!tpu.dma_semaphore, #tpu.memory_space<semaphore_mem>>) src(%arg10 : memref<104x128xf32, #tpu.memory_space<vmem>>) dst(%dma_wait3A_249 : memref<104x128xf32, #tpu.memory_space<hbm>>)
      } else {
      }
      %mul3A_87 = arith.constant 5 : i32
      %mul3A_88 = arith.muli %scan3A_53, %mul3A_87 : i32
      %add3A_89 = arith.constant 2 : i32
      %add3A_90 = arith.addi %mul3A_88, %add3A_89 : i32
      %mul3A_91 = arith.constant 104 : i32
      %mul3A_92 = arith.muli %add3A_90, %mul3A_91 : i32
      %dma_start3A_93 = tpu.memref_slice %arg6[%mul3A_92] : memref<3120xi32, #tpu.memory_space<vmem>> -> memref<104xi32, #tpu.memory_space<vmem>>
      %dma_start3A_94 = arith.constant 0 : i32
      %dma_start3A_95 = arith.constant 0 : i32
      %dma_start3A_96 = tpu.memref_slice %arg13[%dma_start3A_94, %dma_start3A_95] : memref<64x128xf32, #tpu.memory_space<vmem_shared>> -> memref<64x128xf32, #tpu.memory_space<vmem_shared>>
      tpu.enqueue_indirect_dma source(%dma_start3A_96 : memref<64x128xf32, #tpu.memory_space<vmem_shared>>) target(%arg10 : memref<104x128xf32, #tpu.memory_space<vmem>>) offsets(%dma_start3A_93 : memref<104xi32, #tpu.memory_space<vmem>>) semaphore(%arg16 : memref<!tpu.dma_semaphore, #tpu.memory_space<semaphore_mem>>)
      %gt3A_97 = arith.constant 0 : i32
      %gt3A_98 = arith.cmpi sgt, %scan3A_53, %gt3A_97 : i32
      %convert_element_type3A_99 = arith.extui %gt3A_98 : i1 to i32
      %cond3A_100 = arith.constant 0 : i32
      %cond3A_101 = arith.cmpi ne, %convert_element_type3A_99, %cond3A_100 : i32
      scf.if %cond3A_101 {
        %dma_wait3A_242 = arith.constant 0 : i32
        %dma_wait3A_243 = tpu.memref_slice %arg4[%mul3A_2, %dma_wait3A_242] : memref<100000x128xf32, #tpu.memory_space<hbm>> -> memref<104x128xf32, #tpu.memory_space<hbm>>
        %dma_wait3A_244 = arith.constant 0 : i32
        %dma_wait3A_245 = tpu.memref_slice %arg4[%mul3A_2, %dma_wait3A_244] : memref<100000x128xf32, #tpu.memory_space<hbm>> -> memref<104x128xf32, #tpu.memory_space<hbm>>
        tpu.wait_dma2 semaphore(%arg22 : memref<!tpu.dma_semaphore, #tpu.memory_space<semaphore_mem>>) src(%arg11 : memref<104x128xf32, #tpu.memory_space<vmem>>) dst(%dma_wait3A_245 : memref<104x128xf32, #tpu.memory_space<hbm>>)
        %dma_wait3A_246 = arith.constant 0 : i32
        %dma_wait3A_247 = tpu.memref_slice %arg5[%mul3A_2, %dma_wait3A_246] : memref<100000x128xf32, #tpu.memory_space<hbm>> -> memref<104x128xf32, #tpu.memory_space<hbm>>
        %dma_wait3A_248 = arith.constant 0 : i32
        %dma_wait3A_249 = tpu.memref_slice %arg5[%mul3A_2, %dma_wait3A_248] : memref<100000x128xf32, #tpu.memory_space<hbm>> -> memref<104x128xf32, #tpu.memory_space<hbm>>
        tpu.wait_dma2 semaphore(%arg22 : memref<!tpu.dma_semaphore, #tpu.memory_space<semaphore_mem>>) src(%arg11 : memref<104x128xf32, #tpu.memory_space<vmem>>) dst(%dma_wait3A_249 : memref<104x128xf32, #tpu.memory_space<hbm>>)
      } else {
      }
      %mul3A_102 = arith.constant 5 : i32
      %mul3A_103 = arith.muli %scan3A_53, %mul3A_102 : i32
      %add3A_104 = arith.constant 3 : i32
      %add3A_105 = arith.addi %mul3A_103, %add3A_104 : i32
      %mul3A_106 = arith.constant 104 : i32
      %mul3A_107 = arith.muli %add3A_105, %mul3A_106 : i32
      %dma_start3A_108 = tpu.memref_slice %arg6[%mul3A_107] : memref<3120xi32, #tpu.memory_space<vmem>> -> memref<104xi32, #tpu.memory_space<vmem>>
      %dma_start3A_109 = arith.constant 0 : i32
      %dma_start3A_110 = arith.constant 0 : i32
      %dma_start3A_111 = tpu.memref_slice %arg13[%dma_start3A_109, %dma_start3A_110] : memref<64x128xf32, #tpu.memory_space<vmem_shared>> -> memref<64x128xf32, #tpu.memory_space<vmem_shared>>
      tpu.enqueue_indirect_dma source(%dma_start3A_111 : memref<64x128xf32, #tpu.memory_space<vmem_shared>>) target(%arg11 : memref<104x128xf32, #tpu.memory_space<vmem>>) offsets(%dma_start3A_108 : memref<104xi32, #tpu.memory_space<vmem>>) semaphore(%arg17 : memref<!tpu.dma_semaphore, #tpu.memory_space<semaphore_mem>>)
      %gt3A_112 = arith.constant 0 : i32
      %gt3A_113 = arith.cmpi sgt, %scan3A_53, %gt3A_112 : i32
      %convert_element_type3A_114 = arith.extui %gt3A_113 : i1 to i32
      %cond3A_115 = arith.constant 0 : i32
      %cond3A_116 = arith.cmpi ne, %convert_element_type3A_114, %cond3A_115 : i32
      scf.if %cond3A_116 {
        %dma_wait3A_242 = arith.constant 0 : i32
        %dma_wait3A_243 = tpu.memref_slice %arg4[%mul3A_2, %dma_wait3A_242] : memref<100000x128xf32, #tpu.memory_space<hbm>> -> memref<104x128xf32, #tpu.memory_space<hbm>>
        %dma_wait3A_244 = arith.constant 0 : i32
        %dma_wait3A_245 = tpu.memref_slice %arg4[%mul3A_2, %dma_wait3A_244] : memref<100000x128xf32, #tpu.memory_space<hbm>> -> memref<104x128xf32, #tpu.memory_space<hbm>>
        tpu.wait_dma2 semaphore(%arg23 : memref<!tpu.dma_semaphore, #tpu.memory_space<semaphore_mem>>) src(%arg12 : memref<104x128xf32, #tpu.memory_space<vmem>>) dst(%dma_wait3A_245 : memref<104x128xf32, #tpu.memory_space<hbm>>)
        %dma_wait3A_246 = arith.constant 0 : i32
        %dma_wait3A_247 = tpu.memref_slice %arg5[%mul3A_2, %dma_wait3A_246] : memref<100000x128xf32, #tpu.memory_space<hbm>> -> memref<104x128xf32, #tpu.memory_space<hbm>>
        %dma_wait3A_248 = arith.constant 0 : i32
        %dma_wait3A_249 = tpu.memref_slice %arg5[%mul3A_2, %dma_wait3A_248] : memref<100000x128xf32, #tpu.memory_space<hbm>> -> memref<104x128xf32, #tpu.memory_space<hbm>>
        tpu.wait_dma2 semaphore(%arg23 : memref<!tpu.dma_semaphore, #tpu.memory_space<semaphore_mem>>) src(%arg12 : memref<104x128xf32, #tpu.memory_space<vmem>>) dst(%dma_wait3A_249 : memref<104x128xf32, #tpu.memory_space<hbm>>)
      } else {
      }
      %mul3A_117 = arith.constant 5 : i32
      %mul3A_118 = arith.muli %scan3A_53, %mul3A_117 : i32
      %add3A_119 = arith.constant 4 : i32
      %add3A_120 = arith.addi %mul3A_118, %add3A_119 : i32
      %mul3A_121 = arith.constant 104 : i32
      %mul3A_122 = arith.muli %add3A_120, %mul3A_121 : i32
      %dma_start3A_123 = tpu.memref_slice %arg6[%mul3A_122] : memref<3120xi32, #tpu.memory_space<vmem>> -> memref<104xi32, #tpu.memory_space<vmem>>
      %dma_start3A_124 = arith.constant 0 : i32
      %dma_start3A_125 = arith.constant 0 : i32
      %dma_start3A_126 = tpu.memref_slice %arg13[%dma_start3A_124, %dma_start3A_125] : memref<64x128xf32, #tpu.memory_space<vmem_shared>> -> memref<64x128xf32, #tpu.memory_space<vmem_shared>>
      tpu.enqueue_indirect_dma source(%dma_start3A_126 : memref<64x128xf32, #tpu.memory_space<vmem_shared>>) target(%arg12 : memref<104x128xf32, #tpu.memory_space<vmem>>) offsets(%dma_start3A_123 : memref<104xi32, #tpu.memory_space<vmem>>) semaphore(%arg18 : memref<!tpu.dma_semaphore, #tpu.memory_space<semaphore_mem>>)
      %dma_wait3A_127 = arith.constant 0 : i32
      %dma_wait3A_128 = tpu.memref_slice %arg6[%dma_wait3A_127] : memref<3120xi32, #tpu.memory_space<vmem>> -> memref<104xi32, #tpu.memory_space<vmem>>
      %dma_wait3A_129 = arith.constant 0 : i32
      %dma_wait3A_130 = arith.constant 0 : i32
      %dma_wait3A_131 = tpu.memref_slice %arg13[%dma_wait3A_129, %dma_wait3A_130] : memref<64x128xf32, #tpu.memory_space<vmem_shared>> -> memref<64x128xf32, #tpu.memory_space<vmem_shared>>
      tpu.wait_indirect_dma semaphore(%arg14 : memref<!tpu.dma_semaphore, #tpu.memory_space<semaphore_mem>>) src(%dma_wait3A_131 : memref<64x128xf32, #tpu.memory_space<vmem_shared>>) dst(%arg8 : memref<104x128xf32, #tpu.memory_space<vmem>>)
      %mul3A_132 = arith.constant 5 : i32
      %mul3A_133 = arith.muli %scan3A_53, %mul3A_132 : i32
      %add3A_134 = arith.constant 0 : i32
      %add3A_135 = arith.addi %mul3A_133, %add3A_134 : i32
      %mul3A_136 = arith.constant 104 : i32
      %mul3A_137 = arith.muli %add3A_135, %mul3A_136 : i32
      %add3A_138 = arith.addi %mul3A_2, %mul3A_137 : i32
      %dma_start3A_139 = arith.constant 0 : i32
      %dma_start3A_140 = tpu.memref_slice %arg4[%add3A_138, %dma_start3A_139] : memref<100000x128xf32, #tpu.memory_space<hbm>> -> memref<104x128xf32, #tpu.memory_space<hbm>>
      %dma_start3A_141 = arith.constant 0 : i32
      %dma_start3A_142 = tpu.memref_slice %arg4[%add3A_138, %dma_start3A_141] : memref<100000x128xf32, #tpu.memory_space<hbm>> -> memref<104x128xf32, #tpu.memory_space<hbm>>
      tpu.enqueue_dma source(%arg8 : memref<104x128xf32, #tpu.memory_space<vmem>>) target(%dma_start3A_142 : memref<104x128xf32, #tpu.memory_space<hbm>>) target_semaphore(%arg19 : memref<!tpu.dma_semaphore, #tpu.memory_space<semaphore_mem>>)
      %mul3A_143 = arith.constant 104 : i32
      %mul3A_144 = arith.muli %add3A_135, %mul3A_143 : i32
      %add3A_145 = arith.addi %mul3A_2, %mul3A_144 : i32
      %dma_start3A_146 = arith.constant 0 : i32
      %dma_start3A_147 = tpu.memref_slice %arg5[%add3A_145, %dma_start3A_146] : memref<100000x128xf32, #tpu.memory_space<hbm>> -> memref<104x128xf32, #tpu.memory_space<hbm>>
      %dma_start3A_148 = arith.constant 0 : i32
      %dma_start3A_149 = tpu.memref_slice %arg5[%add3A_145, %dma_start3A_148] : memref<100000x128xf32, #tpu.memory_space<hbm>> -> memref<104x128xf32, #tpu.memory_space<hbm>>
      tpu.enqueue_dma source(%arg8 : memref<104x128xf32, #tpu.memory_space<vmem>>) target(%dma_start3A_149 : memref<104x128xf32, #tpu.memory_space<hbm>>) target_semaphore(%arg19 : memref<!tpu.dma_semaphore, #tpu.memory_space<semaphore_mem>>)
      %dma_wait3A_150 = arith.constant 0 : i32
      %dma_wait3A_151 = tpu.memref_slice %arg6[%dma_wait3A_150] : memref<3120xi32, #tpu.memory_space<vmem>> -> memref<104xi32, #tpu.memory_space<vmem>>
      %dma_wait3A_152 = arith.constant 0 : i32
      %dma_wait3A_153 = arith.constant 0 : i32
      %dma_wait3A_154 = tpu.memref_slice %arg13[%dma_wait3A_152, %dma_wait3A_153] : memref<64x128xf32, #tpu.memory_space<vmem_shared>> -> memref<64x128xf32, #tpu.memory_space<vmem_shared>>
      tpu.wait_indirect_dma semaphore(%arg15 : memref<!tpu.dma_semaphore, #tpu.memory_space<semaphore_mem>>) src(%dma_wait3A_154 : memref<64x128xf32, #tpu.memory_space<vmem_shared>>) dst(%arg9 : memref<104x128xf32, #tpu.memory_space<vmem>>)
      %mul3A_155 = arith.constant 5 : i32
      %mul3A_156 = arith.muli %scan3A_53, %mul3A_155 : i32
      %add3A_157 = arith.constant 1 : i32
      %add3A_158 = arith.addi %mul3A_156, %add3A_157 : i32
      %mul3A_159 = arith.constant 104 : i32
      %mul3A_160 = arith.muli %add3A_158, %mul3A_159 : i32
      %add3A_161 = arith.addi %mul3A_2, %mul3A_160 : i32
      %dma_start3A_162 = arith.constant 0 : i32
      %dma_start3A_163 = tpu.memref_slice %arg4[%add3A_161, %dma_start3A_162] : memref<100000x128xf32, #tpu.memory_space<hbm>> -> memref<104x128xf32, #tpu.memory_space<hbm>>
      %dma_start3A_164 = arith.constant 0 : i32
      %dma_start3A_165 = tpu.memref_slice %arg4[%add3A_161, %dma_start3A_164] : memref<100000x128xf32, #tpu.memory_space<hbm>> -> memref<104x128xf32, #tpu.memory_space<hbm>>
      tpu.enqueue_dma source(%arg9 : memref<104x128xf32, #tpu.memory_space<vmem>>) target(%dma_start3A_165 : memref<104x128xf32, #tpu.memory_space<hbm>>) target_semaphore(%arg20 : memref<!tpu.dma_semaphore, #tpu.memory_space<semaphore_mem>>)
      %mul3A_166 = arith.constant 104 : i32
      %mul3A_167 = arith.muli %add3A_158, %mul3A_166 : i32
      %add3A_168 = arith.addi %mul3A_2, %mul3A_167 : i32
      %dma_start3A_169 = arith.constant 0 : i32
      %dma_start3A_170 = tpu.memref_slice %arg5[%add3A_168, %dma_start3A_169] : memref<100000x128xf32, #tpu.memory_space<hbm>> -> memref<104x128xf32, #tpu.memory_space<hbm>>
      %dma_start3A_171 = arith.constant 0 : i32
      %dma_start3A_172 = tpu.memref_slice %arg5[%add3A_168, %dma_start3A_171] : memref<100000x128xf32, #tpu.memory_space<hbm>> -> memref<104x128xf32, #tpu.memory_space<hbm>>
      tpu.enqueue_dma source(%arg9 : memref<104x128xf32, #tpu.memory_space<vmem>>) target(%dma_start3A_172 : memref<104x128xf32, #tpu.memory_space<hbm>>) target_semaphore(%arg20 : memref<!tpu.dma_semaphore, #tpu.memory_space<semaphore_mem>>)
      %dma_wait3A_173 = arith.constant 0 : i32
      %dma_wait3A_174 = tpu.memref_slice %arg6[%dma_wait3A_173] : memref<3120xi32, #tpu.memory_space<vmem>> -> memref<104xi32, #tpu.memory_space<vmem>>
      %dma_wait3A_175 = arith.constant 0 : i32
      %dma_wait3A_176 = arith.constant 0 : i32
      %dma_wait3A_177 = tpu.memref_slice %arg13[%dma_wait3A_175, %dma_wait3A_176] : memref<64x128xf32, #tpu.memory_space<vmem_shared>> -> memref<64x128xf32, #tpu.memory_space<vmem_shared>>
      tpu.wait_indirect_dma semaphore(%arg16 : memref<!tpu.dma_semaphore, #tpu.memory_space<semaphore_mem>>) src(%dma_wait3A_177 : memref<64x128xf32, #tpu.memory_space<vmem_shared>>) dst(%arg10 : memref<104x128xf32, #tpu.memory_space<vmem>>)
      %mul3A_178 = arith.constant 5 : i32
      %mul3A_179 = arith.muli %scan3A_53, %mul3A_178 : i32
      %add3A_180 = arith.constant 2 : i32
      %add3A_181 = arith.addi %mul3A_179, %add3A_180 : i32
      %mul3A_182 = arith.constant 104 : i32
      %mul3A_183 = arith.muli %add3A_181, %mul3A_182 : i32
      %add3A_184 = arith.addi %mul3A_2, %mul3A_183 : i32
      %dma_start3A_185 = arith.constant 0 : i32
      %dma_start3A_186 = tpu.memref_slice %arg4[%add3A_184, %dma_start3A_185] : memref<100000x128xf32, #tpu.memory_space<hbm>> -> memref<104x128xf32, #tpu.memory_space<hbm>>
      %dma_start3A_187 = arith.constant 0 : i32
      %dma_start3A_188 = tpu.memref_slice %arg4[%add3A_184, %dma_start3A_187] : memref<100000x128xf32, #tpu.memory_space<hbm>> -> memref<104x128xf32, #tpu.memory_space<hbm>>
      tpu.enqueue_dma source(%arg10 : memref<104x128xf32, #tpu.memory_space<vmem>>) target(%dma_start3A_188 : memref<104x128xf32, #tpu.memory_space<hbm>>) target_semaphore(%arg21 : memref<!tpu.dma_semaphore, #tpu.memory_space<semaphore_mem>>)
      %mul3A_189 = arith.constant 104 : i32
      %mul3A_190 = arith.muli %add3A_181, %mul3A_189 : i32
      %add3A_191 = arith.addi %mul3A_2, %mul3A_190 : i32
      %dma_start3A_192 = arith.constant 0 : i32
      %dma_start3A_193 = tpu.memref_slice %arg5[%add3A_191, %dma_start3A_192] : memref<100000x128xf32, #tpu.memory_space<hbm>> -> memref<104x128xf32, #tpu.memory_space<hbm>>
      %dma_start3A_194 = arith.constant 0 : i32
      %dma_start3A_195 = tpu.memref_slice %arg5[%add3A_191, %dma_start3A_194] : memref<100000x128xf32, #tpu.memory_space<hbm>> -> memref<104x128xf32, #tpu.memory_space<hbm>>
      tpu.enqueue_dma source(%arg10 : memref<104x128xf32, #tpu.memory_space<vmem>>) target(%dma_start3A_195 : memref<104x128xf32, #tpu.memory_space<hbm>>) target_semaphore(%arg21 : memref<!tpu.dma_semaphore, #tpu.memory_space<semaphore_mem>>)
      %dma_wait3A_196 = arith.constant 0 : i32
      %dma_wait3A_197 = tpu.memref_slice %arg6[%dma_wait3A_196] : memref<3120xi32, #tpu.memory_space<vmem>> -> memref<104xi32, #tpu.memory_space<vmem>>
      %dma_wait3A_198 = arith.constant 0 : i32
      %dma_wait3A_199 = arith.constant 0 : i32
      %dma_wait3A_200 = tpu.memref_slice %arg13[%dma_wait3A_198, %dma_wait3A_199] : memref<64x128xf32, #tpu.memory_space<vmem_shared>> -> memref<64x128xf32, #tpu.memory_space<vmem_shared>>
      tpu.wait_indirect_dma semaphore(%arg17 : memref<!tpu.dma_semaphore, #tpu.memory_space<semaphore_mem>>) src(%dma_wait3A_200 : memref<64x128xf32, #tpu.memory_space<vmem_shared>>) dst(%arg11 : memref<104x128xf32, #tpu.memory_space<vmem>>)
      %mul3A_201 = arith.constant 5 : i32
      %mul3A_202 = arith.muli %scan3A_53, %mul3A_201 : i32
      %add3A_203 = arith.constant 3 : i32
      %add3A_204 = arith.addi %mul3A_202, %add3A_203 : i32
      %mul3A_205 = arith.constant 104 : i32
      %mul3A_206 = arith.muli %add3A_204, %mul3A_205 : i32
      %add3A_207 = arith.addi %mul3A_2, %mul3A_206 : i32
      %dma_start3A_208 = arith.constant 0 : i32
      %dma_start3A_209 = tpu.memref_slice %arg4[%add3A_207, %dma_start3A_208] : memref<100000x128xf32, #tpu.memory_space<hbm>> -> memref<104x128xf32, #tpu.memory_space<hbm>>
      %dma_start3A_210 = arith.constant 0 : i32
      %dma_start3A_211 = tpu.memref_slice %arg4[%add3A_207, %dma_start3A_210] : memref<100000x128xf32, #tpu.memory_space<hbm>> -> memref<104x128xf32, #tpu.memory_space<hbm>>
      tpu.enqueue_dma source(%arg11 : memref<104x128xf32, #tpu.memory_space<vmem>>) target(%dma_start3A_211 : memref<104x128xf32, #tpu.memory_space<hbm>>) target_semaphore(%arg22 : memref<!tpu.dma_semaphore, #tpu.memory_space<semaphore_mem>>)
      %mul3A_212 = arith.constant 104 : i32
      %mul3A_213 = arith.muli %add3A_204, %mul3A_212 : i32
      %add3A_214 = arith.addi %mul3A_2, %mul3A_213 : i32
      %dma_start3A_215 = arith.constant 0 : i32
      %dma_start3A_216 = tpu.memref_slice %arg5[%add3A_214, %dma_start3A_215] : memref<100000x128xf32, #tpu.memory_space<hbm>> -> memref<104x128xf32, #tpu.memory_space<hbm>>
      %dma_start3A_217 = arith.constant 0 : i32
      %dma_start3A_218 = tpu.memref_slice %arg5[%add3A_214, %dma_start3A_217] : memref<100000x128xf32, #tpu.memory_space<hbm>> -> memref<104x128xf32, #tpu.memory_space<hbm>>
      tpu.enqueue_dma source(%arg11 : memref<104x128xf32, #tpu.memory_space<vmem>>) target(%dma_start3A_218 : memref<104x128xf32, #tpu.memory_space<hbm>>) target_semaphore(%arg22 : memref<!tpu.dma_semaphore, #tpu.memory_space<semaphore_mem>>)
      %dma_wait3A_219 = arith.constant 0 : i32
      %dma_wait3A_220 = tpu.memref_slice %arg6[%dma_wait3A_219] : memref<3120xi32, #tpu.memory_space<vmem>> -> memref<104xi32, #tpu.memory_space<vmem>>
      %dma_wait3A_221 = arith.constant 0 : i32
      %dma_wait3A_222 = arith.constant 0 : i32
      %dma_wait3A_223 = tpu.memref_slice %arg13[%dma_wait3A_221, %dma_wait3A_222] : memref<64x128xf32, #tpu.memory_space<vmem_shared>> -> memref<64x128xf32, #tpu.memory_space<vmem_shared>>
      tpu.wait_indirect_dma semaphore(%arg18 : memref<!tpu.dma_semaphore, #tpu.memory_space<semaphore_mem>>) src(%dma_wait3A_223 : memref<64x128xf32, #tpu.memory_space<vmem_shared>>) dst(%arg12 : memref<104x128xf32, #tpu.memory_space<vmem>>)
      %mul3A_224 = arith.constant 5 : i32
      %mul3A_225 = arith.muli %scan3A_53, %mul3A_224 : i32
      %add3A_226 = arith.constant 4 : i32
      %add3A_227 = arith.addi %mul3A_225, %add3A_226 : i32
      %mul3A_228 = arith.constant 104 : i32
      %mul3A_229 = arith.muli %add3A_227, %mul3A_228 : i32
      %add3A_230 = arith.addi %mul3A_2, %mul3A_229 : i32
      %dma_start3A_231 = arith.constant 0 : i32
      %dma_start3A_232 = tpu.memref_slice %arg4[%add3A_230, %dma_start3A_231] : memref<100000x128xf32, #tpu.memory_space<hbm>> -> memref<104x128xf32, #tpu.memory_space<hbm>>
      %dma_start3A_233 = arith.constant 0 : i32
      %dma_start3A_234 = tpu.memref_slice %arg4[%add3A_230, %dma_start3A_233] : memref<100000x128xf32, #tpu.memory_space<hbm>> -> memref<104x128xf32, #tpu.memory_space<hbm>>
      tpu.enqueue_dma source(%arg12 : memref<104x128xf32, #tpu.memory_space<vmem>>) target(%dma_start3A_234 : memref<104x128xf32, #tpu.memory_space<hbm>>) target_semaphore(%arg23 : memref<!tpu.dma_semaphore, #tpu.memory_space<semaphore_mem>>)
      %mul3A_235 = arith.constant 104 : i32
      %mul3A_236 = arith.muli %add3A_227, %mul3A_235 : i32
      %add3A_237 = arith.addi %mul3A_2, %mul3A_236 : i32
      %dma_start3A_238 = arith.constant 0 : i32
      %dma_start3A_239 = tpu.memref_slice %arg5[%add3A_237, %dma_start3A_238] : memref<100000x128xf32, #tpu.memory_space<hbm>> -> memref<104x128xf32, #tpu.memory_space<hbm>>
      %dma_start3A_240 = arith.constant 0 : i32
      %dma_start3A_241 = tpu.memref_slice %arg5[%add3A_237, %dma_start3A_240] : memref<100000x128xf32, #tpu.memory_space<hbm>> -> memref<104x128xf32, #tpu.memory_space<hbm>>
      tpu.enqueue_dma source(%arg12 : memref<104x128xf32, #tpu.memory_space<vmem>>) target(%dma_start3A_241 : memref<104x128xf32, #tpu.memory_space<hbm>>) target_semaphore(%arg23 : memref<!tpu.dma_semaphore, #tpu.memory_space<semaphore_mem>>)
    }
    %scan3A_9 = arith.constant 6 : i32
    %dma_wait3A = arith.constant 0 : i32
    %dma_wait3A_10 = tpu.memref_slice %arg4[%mul3A_2, %dma_wait3A] : memref<100000x128xf32, #tpu.memory_space<hbm>> -> memref<104x128xf32, #tpu.memory_space<hbm>>
    %dma_wait3A_11 = arith.constant 0 : i32
    %dma_wait3A_12 = tpu.memref_slice %arg4[%mul3A_2, %dma_wait3A_11] : memref<100000x128xf32, #tpu.memory_space<hbm>> -> memref<104x128xf32, #tpu.memory_space<hbm>>
    tpu.wait_dma2 semaphore(%arg19 : memref<!tpu.dma_semaphore, #tpu.memory_space<semaphore_mem>>) src(%arg8 : memref<104x128xf32, #tpu.memory_space<vmem>>) dst(%dma_wait3A_12 : memref<104x128xf32, #tpu.memory_space<hbm>>)
    %dma_wait3A_13 = arith.constant 0 : i32
    %dma_wait3A_14 = tpu.memref_slice %arg5[%mul3A_2, %dma_wait3A_13] : memref<100000x128xf32, #tpu.memory_space<hbm>> -> memref<104x128xf32, #tpu.memory_space<hbm>>
    %dma_wait3A_15 = arith.constant 0 : i32
    %dma_wait3A_16 = tpu.memref_slice %arg5[%mul3A_2, %dma_wait3A_15] : memref<100000x128xf32, #tpu.memory_space<hbm>> -> memref<104x128xf32, #tpu.memory_space<hbm>>
    tpu.wait_dma2 semaphore(%arg19 : memref<!tpu.dma_semaphore, #tpu.memory_space<semaphore_mem>>) src(%arg8 : memref<104x128xf32, #tpu.memory_space<vmem>>) dst(%dma_wait3A_16 : memref<104x128xf32, #tpu.memory_space<hbm>>)
    %dma_wait3A_17 = arith.constant 0 : i32
    %dma_wait3A_18 = tpu.memref_slice %arg4[%mul3A_2, %dma_wait3A_17] : memref<100000x128xf32, #tpu.memory_space<hbm>> -> memref<104x128xf32, #tpu.memory_space<hbm>>
    %dma_wait3A_19 = arith.constant 0 : i32
    %dma_wait3A_20 = tpu.memref_slice %arg4[%mul3A_2, %dma_wait3A_19] : memref<100000x128xf32, #tpu.memory_space<hbm>> -> memref<104x128xf32, #tpu.memory_space<hbm>>
    tpu.wait_dma2 semaphore(%arg20 : memref<!tpu.dma_semaphore, #tpu.memory_space<semaphore_mem>>) src(%arg9 : memref<104x128xf32, #tpu.memory_space<vmem>>) dst(%dma_wait3A_20 : memref<104x128xf32, #tpu.memory_space<hbm>>)
    %dma_wait3A_21 = arith.constant 0 : i32
    %dma_wait3A_22 = tpu.memref_slice %arg5[%mul3A_2, %dma_wait3A_21] : memref<100000x128xf32, #tpu.memory_space<hbm>> -> memref<104x128xf32, #tpu.memory_space<hbm>>
    %dma_wait3A_23 = arith.constant 0 : i32
    %dma_wait3A_24 = tpu.memref_slice %arg5[%mul3A_2, %dma_wait3A_23] : memref<100000x128xf32, #tpu.memory_space<hbm>> -> memref<104x128xf32, #tpu.memory_space<hbm>>
    tpu.wait_dma2 semaphore(%arg20 : memref<!tpu.dma_semaphore, #tpu.memory_space<semaphore_mem>>) src(%arg9 : memref<104x128xf32, #tpu.memory_space<vmem>>) dst(%dma_wait3A_24 : memref<104x128xf32, #tpu.memory_space<hbm>>)
    %dma_wait3A_25 = arith.constant 0 : i32
    %dma_wait3A_26 = tpu.memref_slice %arg4[%mul3A_2, %dma_wait3A_25] : memref<100000x128xf32, #tpu.memory_space<hbm>> -> memref<104x128xf32, #tpu.memory_space<hbm>>
    %dma_wait3A_27 = arith.constant 0 : i32
    %dma_wait3A_28 = tpu.memref_slice %arg4[%mul3A_2, %dma_wait3A_27] : memref<100000x128xf32, #tpu.memory_space<hbm>> -> memref<104x128xf32, #tpu.memory_space<hbm>>
    tpu.wait_dma2 semaphore(%arg21 : memref<!tpu.dma_semaphore, #tpu.memory_space<semaphore_mem>>) src(%arg10 : memref<104x128xf32, #tpu.memory_space<vmem>>) dst(%dma_wait3A_28 : memref<104x128xf32, #tpu.memory_space<hbm>>)
    %dma_wait3A_29 = arith.constant 0 : i32
    %dma_wait3A_30 = tpu.memref_slice %arg5[%mul3A_2, %dma_wait3A_29] : memref<100000x128xf32, #tpu.memory_space<hbm>> -> memref<104x128xf32, #tpu.memory_space<hbm>>
    %dma_wait3A_31 = arith.constant 0 : i32
    %dma_wait3A_32 = tpu.memref_slice %arg5[%mul3A_2, %dma_wait3A_31] : memref<100000x128xf32, #tpu.memory_space<hbm>> -> memref<104x128xf32, #tpu.memory_space<hbm>>
    tpu.wait_dma2 semaphore(%arg21 : memref<!tpu.dma_semaphore, #tpu.memory_space<semaphore_mem>>) src(%arg10 : memref<104x128xf32, #tpu.memory_space<vmem>>) dst(%dma_wait3A_32 : memref<104x128xf32, #tpu.memory_space<hbm>>)
    %dma_wait3A_33 = arith.constant 0 : i32
    %dma_wait3A_34 = tpu.memref_slice %arg4[%mul3A_2, %dma_wait3A_33] : memref<100000x128xf32, #tpu.memory_space<hbm>> -> memref<104x128xf32, #tpu.memory_space<hbm>>
    %dma_wait3A_35 = arith.constant 0 : i32
    %dma_wait3A_36 = tpu.memref_slice %arg4[%mul3A_2, %dma_wait3A_35] : memref<100000x128xf32, #tpu.memory_space<hbm>> -> memref<104x128xf32, #tpu.memory_space<hbm>>
    tpu.wait_dma2 semaphore(%arg22 : memref<!tpu.dma_semaphore, #tpu.memory_space<semaphore_mem>>) src(%arg11 : memref<104x128xf32, #tpu.memory_space<vmem>>) dst(%dma_wait3A_36 : memref<104x128xf32, #tpu.memory_space<hbm>>)
    %dma_wait3A_37 = arith.constant 0 : i32
    %dma_wait3A_38 = tpu.memref_slice %arg5[%mul3A_2, %dma_wait3A_37] : memref<100000x128xf32, #tpu.memory_space<hbm>> -> memref<104x128xf32, #tpu.memory_space<hbm>>
    %dma_wait3A_39 = arith.constant 0 : i32
    %dma_wait3A_40 = tpu.memref_slice %arg5[%mul3A_2, %dma_wait3A_39] : memref<100000x128xf32, #tpu.memory_space<hbm>> -> memref<104x128xf32, #tpu.memory_space<hbm>>
    tpu.wait_dma2 semaphore(%arg22 : memref<!tpu.dma_semaphore, #tpu.memory_space<semaphore_mem>>) src(%arg11 : memref<104x128xf32, #tpu.memory_space<vmem>>) dst(%dma_wait3A_40 : memref<104x128xf32, #tpu.memory_space<hbm>>)
    %dma_wait3A_41 = arith.constant 0 : i32
    %dma_wait3A_42 = tpu.memref_slice %arg4[%mul3A_2, %dma_wait3A_41] : memref<100000x128xf32, #tpu.memory_space<hbm>> -> memref<104x128xf32, #tpu.memory_space<hbm>>
    %dma_wait3A_43 = arith.constant 0 : i32
    %dma_wait3A_44 = tpu.memref_slice %arg4[%mul3A_2, %dma_wait3A_43] : memref<100000x128xf32, #tpu.memory_space<hbm>> -> memref<104x128xf32, #tpu.memory_space<hbm>>
    tpu.wait_dma2 semaphore(%arg23 : memref<!tpu.dma_semaphore, #tpu.memory_space<semaphore_mem>>) src(%arg12 : memref<104x128xf32, #tpu.memory_space<vmem>>) dst(%dma_wait3A_44 : memref<104x128xf32, #tpu.memory_space<hbm>>)
    %dma_wait3A_45 = arith.constant 0 : i32
    %dma_wait3A_46 = tpu.memref_slice %arg5[%mul3A_2, %dma_wait3A_45] : memref<100000x128xf32, #tpu.memory_space<hbm>> -> memref<104x128xf32, #tpu.memory_space<hbm>>
    %dma_wait3A_47 = arith.constant 0 : i32
    %dma_wait3A_48 = tpu.memref_slice %arg5[%mul3A_2, %dma_wait3A_47] : memref<100000x128xf32, #tpu.memory_space<hbm>> -> memref<104x128xf32, #tpu.memory_space<hbm>>
    tpu.wait_dma2 semaphore(%arg23 : memref<!tpu.dma_semaphore, #tpu.memory_space<semaphore_mem>>) src(%arg12 : memref<104x128xf32, #tpu.memory_space<vmem>>) dst(%dma_wait3A_48 : memref<104x128xf32, #tpu.memory_space<hbm>>)
    %lt3A = arith.constant 20 : i32
    %lt3A_49 = arith.cmpi slt, %add3A, %lt3A : i32
    %convert_element_type3A_50 = arith.extui %lt3A_49 : i1 to i32
    %cond3A_51 = arith.constant 0 : i32
    %cond3A_52 = arith.cmpi ne, %convert_element_type3A_50, %cond3A_51 : i32
    scf.if %cond3A_52 {
      %mul3A_53 = arith.constant 8 : i32
      %mul3A_54 = arith.muli %add3A, %mul3A_53 : i32
      %add3A_55 = arith.constant 99840 : i32
      %add3A_56 = arith.addi %add3A_55, %mul3A_54 : i32
      "tpu.region"() ({
        %run_scoped3A = tpu.sem_alloc : memref<!tpu.dma_semaphore, #tpu.memory_space<semaphore_mem>>
        %dma_start3A_68 = tpu.memref_slice %arg2[%add3A_56] : memref<100000xi32, #tpu.memory_space<hbm>> -> memref<8xi32, #tpu.memory_space<hbm>>
        %dma_start3A_69 = tpu.memref_slice %arg2[%add3A_56] : memref<100000xi32, #tpu.memory_space<hbm>> -> memref<8xi32, #tpu.memory_space<hbm>>
        tpu.enqueue_dma source(%dma_start3A_69 : memref<8xi32, #tpu.memory_space<hbm>>) target(%arg7 : memref<8xi32, #tpu.memory_space<vmem>>) target_semaphore(%run_scoped3A : memref<!tpu.dma_semaphore, #tpu.memory_space<semaphore_mem>>)
        %dma_wait3A_70 = tpu.memref_slice %arg2[%add3A_56] : memref<100000xi32, #tpu.memory_space<hbm>> -> memref<8xi32, #tpu.memory_space<hbm>>
        %dma_wait3A_71 = tpu.memref_slice %arg2[%add3A_56] : memref<100000xi32, #tpu.memory_space<hbm>> -> memref<8xi32, #tpu.memory_space<hbm>>
        tpu.wait_dma2 semaphore(%run_scoped3A : memref<!tpu.dma_semaphore, #tpu.memory_space<semaphore_mem>>) src(%dma_wait3A_71 : memref<8xi32, #tpu.memory_space<hbm>>) dst(%arg7 : memref<8xi32, #tpu.memory_space<vmem>>)
        tpu.yield
      }) : () -> ()
      %dma_start3A = arith.constant 0 : i32
      %dma_start3A_57 = arith.constant 0 : i32
      %dma_start3A_58 = tpu.memref_slice %arg8[%dma_start3A, %dma_start3A_57] : memref<104x128xf32, #tpu.memory_space<vmem>> -> memref<8x128xf32, #tpu.memory_space<vmem>>
      %dma_start3A_59 = arith.constant 0 : i32
      %dma_start3A_60 = arith.constant 0 : i32
      %dma_start3A_61 = tpu.memref_slice %arg13[%dma_start3A_59, %dma_start3A_60] : memref<64x128xf32, #tpu.memory_space<vmem_shared>> -> memref<64x128xf32, #tpu.memory_space<vmem_shared>>
      tpu.enqueue_indirect_dma source(%dma_start3A_61 : memref<64x128xf32, #tpu.memory_space<vmem_shared>>) target(%dma_start3A_58 : memref<8x128xf32, #tpu.memory_space<vmem>>) offsets(%arg7 : memref<8xi32, #tpu.memory_space<vmem>>) semaphore(%arg14 : memref<!tpu.dma_semaphore, #tpu.memory_space<semaphore_mem>>)
      %dma_wait3A_62 = arith.constant 0 : i32
      %dma_wait3A_63 = arith.constant 0 : i32
      %dma_wait3A_64 = tpu.memref_slice %arg8[%dma_wait3A_62, %dma_wait3A_63] : memref<104x128xf32, #tpu.memory_space<vmem>> -> memref<8x128xf32, #tpu.memory_space<vmem>>
      %dma_wait3A_65 = arith.constant 0 : i32
      %dma_wait3A_66 = arith.constant 0 : i32
      %dma_wait3A_67 = tpu.memref_slice %arg13[%dma_wait3A_65, %dma_wait3A_66] : memref<64x128xf32, #tpu.memory_space<vmem_shared>> -> memref<64x128xf32, #tpu.memory_space<vmem_shared>>
      tpu.wait_indirect_dma semaphore(%arg14 : memref<!tpu.dma_semaphore, #tpu.memory_space<semaphore_mem>>) src(%dma_wait3A_67 : memref<64x128xf32, #tpu.memory_space<vmem_shared>>) dst(%dma_wait3A_64 : memref<8x128xf32, #tpu.memory_space<vmem>>)
      "tpu.region"() ({
        %run_scoped3A = tpu.sem_alloc : memref<!tpu.dma_semaphore, #tpu.memory_space<semaphore_mem>>
        %dma_start3A_68 = arith.constant 0 : i32
        %dma_start3A_69 = arith.constant 0 : i32
        %dma_start3A_70 = tpu.memref_slice %arg8[%dma_start3A_68, %dma_start3A_69] : memref<104x128xf32, #tpu.memory_space<vmem>> -> memref<8x128xf32, #tpu.memory_space<vmem>>
        %dma_start3A_71 = arith.constant 0 : i32
        %dma_start3A_72 = tpu.memref_slice %arg4[%add3A_56, %dma_start3A_71] : memref<100000x128xf32, #tpu.memory_space<hbm>> -> memref<8x128xf32, #tpu.memory_space<hbm>>
        %dma_start3A_73 = arith.constant 0 : i32
        %dma_start3A_74 = tpu.memref_slice %arg4[%add3A_56, %dma_start3A_73] : memref<100000x128xf32, #tpu.memory_space<hbm>> -> memref<8x128xf32, #tpu.memory_space<hbm>>
        %dma_start3A_75 = arith.constant 0 : i32
        %dma_start3A_76 = arith.constant 0 : i32
        %dma_start3A_77 = tpu.memref_slice %arg8[%dma_start3A_75, %dma_start3A_76] : memref<104x128xf32, #tpu.memory_space<vmem>> -> memref<8x128xf32, #tpu.memory_space<vmem>>
        tpu.enqueue_dma source(%dma_start3A_77 : memref<8x128xf32, #tpu.memory_space<vmem>>) target(%dma_start3A_74 : memref<8x128xf32, #tpu.memory_space<hbm>>) target_semaphore(%run_scoped3A : memref<!tpu.dma_semaphore, #tpu.memory_space<semaphore_mem>>)
        %dma_wait3A_78 = arith.constant 0 : i32
        %dma_wait3A_79 = arith.constant 0 : i32
        %dma_wait3A_80 = tpu.memref_slice %arg8[%dma_wait3A_78, %dma_wait3A_79] : memref<104x128xf32, #tpu.memory_space<vmem>> -> memref<8x128xf32, #tpu.memory_space<vmem>>
        %dma_wait3A_81 = arith.constant 0 : i32
        %dma_wait3A_82 = tpu.memref_slice %arg4[%add3A_56, %dma_wait3A_81] : memref<100000x128xf32, #tpu.memory_space<hbm>> -> memref<8x128xf32, #tpu.memory_space<hbm>>
        %dma_wait3A_83 = arith.constant 0 : i32
        %dma_wait3A_84 = tpu.memref_slice %arg4[%add3A_56, %dma_wait3A_83] : memref<100000x128xf32, #tpu.memory_space<hbm>> -> memref<8x128xf32, #tpu.memory_space<hbm>>
        %dma_wait3A_85 = arith.constant 0 : i32
        %dma_wait3A_86 = arith.constant 0 : i32
        %dma_wait3A_87 = tpu.memref_slice %arg8[%dma_wait3A_85, %dma_wait3A_86] : memref<104x128xf32, #tpu.memory_space<vmem>> -> memref<8x128xf32, #tpu.memory_space<vmem>>
        tpu.wait_dma2 semaphore(%run_scoped3A : memref<!tpu.dma_semaphore, #tpu.memory_space<semaphore_mem>>) src(%dma_wait3A_87 : memref<8x128xf32, #tpu.memory_space<vmem>>) dst(%dma_wait3A_84 : memref<8x128xf32, #tpu.memory_space<hbm>>)
        tpu.yield
      }) : () -> ()
      "tpu.region"() ({
        %run_scoped3A = tpu.sem_alloc : memref<!tpu.dma_semaphore, #tpu.memory_space<semaphore_mem>>
        %dma_start3A_68 = arith.constant 0 : i32
        %dma_start3A_69 = arith.constant 0 : i32
        %dma_start3A_70 = tpu.memref_slice %arg8[%dma_start3A_68, %dma_start3A_69] : memref<104x128xf32, #tpu.memory_space<vmem>> -> memref<8x128xf32, #tpu.memory_space<vmem>>
        %dma_start3A_71 = arith.constant 0 : i32
        %dma_start3A_72 = tpu.memref_slice %arg5[%add3A_56, %dma_start3A_71] : memref<100000x128xf32, #tpu.memory_space<hbm>> -> memref<8x128xf32, #tpu.memory_space<hbm>>
        %dma_start3A_73 = arith.constant 0 : i32
        %dma_start3A_74 = tpu.memref_slice %arg5[%add3A_56, %dma_start3A_73] : memref<100000x128xf32, #tpu.memory_space<hbm>> -> memref<8x128xf32, #tpu.memory_space<hbm>>
        %dma_start3A_75 = arith.constant 0 : i32
        %dma_start3A_76 = arith.constant 0 : i32
        %dma_start3A_77 = tpu.memref_slice %arg8[%dma_start3A_75, %dma_start3A_76] : memref<104x128xf32, #tpu.memory_space<vmem>> -> memref<8x128xf32, #tpu.memory_space<vmem>>
        tpu.enqueue_dma source(%dma_start3A_77 : memref<8x128xf32, #tpu.memory_space<vmem>>) target(%dma_start3A_74 : memref<8x128xf32, #tpu.memory_space<hbm>>) target_semaphore(%run_scoped3A : memref<!tpu.dma_semaphore, #tpu.memory_space<semaphore_mem>>)
        %dma_wait3A_78 = arith.constant 0 : i32
        %dma_wait3A_79 = arith.constant 0 : i32
        %dma_wait3A_80 = tpu.memref_slice %arg8[%dma_wait3A_78, %dma_wait3A_79] : memref<104x128xf32, #tpu.memory_space<vmem>> -> memref<8x128xf32, #tpu.memory_space<vmem>>
        %dma_wait3A_81 = arith.constant 0 : i32
        %dma_wait3A_82 = tpu.memref_slice %arg5[%add3A_56, %dma_wait3A_81] : memref<100000x128xf32, #tpu.memory_space<hbm>> -> memref<8x128xf32, #tpu.memory_space<hbm>>
        %dma_wait3A_83 = arith.constant 0 : i32
        %dma_wait3A_84 = tpu.memref_slice %arg5[%add3A_56, %dma_wait3A_83] : memref<100000x128xf32, #tpu.memory_space<hbm>> -> memref<8x128xf32, #tpu.memory_space<hbm>>
        %dma_wait3A_85 = arith.constant 0 : i32
        %dma_wait3A_86 = arith.constant 0 : i32
        %dma_wait3A_87 = tpu.memref_slice %arg8[%dma_wait3A_85, %dma_wait3A_86] : memref<104x128xf32, #tpu.memory_space<vmem>> -> memref<8x128xf32, #tpu.memory_space<vmem>>
        tpu.wait_dma2 semaphore(%run_scoped3A : memref<!tpu.dma_semaphore, #tpu.memory_space<semaphore_mem>>) src(%dma_wait3A_87 : memref<8x128xf32, #tpu.memory_space<vmem>>) dst(%dma_wait3A_84 : memref<8x128xf32, #tpu.memory_space<hbm>>)
        tpu.yield
      }) : () -> ()
    } else {
    }
    return
  }
}

</mosaic_0001>

<sc_bundles>
// kernel: kernel.3.cloned.1.call-start
scs
__scs_entry_jumppad:
0x0: {  	(pc) =	sbr.rel $0x88, $3  }
0x1: {  	(tag) =	ssettag $0x0;
	lr =	simm.s32 $0x1  }
0x2: {  	[smem:$0x3F9F] =	sst lr;
	_ =	strace $0xD0000000  }
0x3: {  	_ = 	snop  }
0x4: {  	_ = 	snop  }
0x5: {  	_ = 	snop  }
0x6: {  	_ = 	snop  }
0x7: {  	_ = 	snop  }
__scs_overlays_trampoline_lowered:
0x8: {  	[smem:$0x3FAE] =	sst s0  }
0x9: {  	[smem:$0x3FAF] =	sst s1  }
0xa: {  	[smem:$0x3FB0] =	sst s2  }
0xb: {  	[smem:$0x3FB1] =	sst s3  }
0xc: {  	[smem:$0x3FB2] =	sst s4  }
0xd: {  	[smem:$0x3FB3] =	sst s5  }
0xe: {  	[smem:$0x3FB4] =	sst s6  }
0xf: {  	[smem:$0x3FB5] =	sst s7  }
0x10: {  	[smem:$0x3FB6] =	sst s8  }
0x11: {  	[smem:$0x3FB7] =	sst s9;
	s0 =	simm.s32 @!p0 $0x0  }
0x12: {  	s1 =	sld [smem:$0x3F9D];
	s0 =	simm.s32 @p0 $0x1  }
0x13: {  	[smem:$0x3FB8] =	sst s0;
	s0 =	simm.s32 @!p1 $0x0  }
0x14: {  	s2 =	sld [smem:$0x3F9C];
	s0 =	simm.s32 @p1 $0x1  }
0x15: {  	[smem:$0x3FB9] =	sst s0;
	s0 =	simm.s32 @!p2 $0x0  }
0x16: {  	s3 =	sld [smem:$0x3FDB];
	s0 =	simm.s32 @p2 $0x1  }
0x17: {  	s4 =	simm.s32 $0x1BF5;
	[smem:$0x3FBB] =	sst s0  }
0x18: {  	s0 =	sld [smem:$0x3F9E];
	_ =	swait.ge [sflag:s4], $0x0  }
0x19: {  	s7 =	sld [smem:$0x3F9F]  }
0x1a: {  	s8 =	sadd.s32 $0xFFFFE003, lr  }
0x1b: {  	s9 =	sadd.s32 $0xFFFFFEF7, lr;
	s5 =	simm.s32 $0xFFFFFFFF;
	p2 =	slt.u32 s8, $0xFFFFF086  }
0x1c: {  	p1 =	slt.u32 s9, $0xF7A;
	s5 =	simm.s32 @!p2 $0x0  }
0x1d: {  	s5 =	simm.s32 @p1 $0x1;
	p0 =	seq.s32 s7, s2  }
0x1e: {  	s7 =	smul.u32 @!p0 $0xF7A, s2;
	p2 =	seq.s32 @!p0 s5, $0x0  }
0x1f: {  	s9 =	smul.u32 $0xF7A, s1;
	s8 =	simm.s32 @!p0 $0x1BF5;
	p2 =	por !p2, p0  }
0x20: {  	[sflag:s8] =	ssyncset.s32 @!p0 $0xFFFFF086;
	s6 =	sadd.s32 @!p0 s3, s7;
	s7 =	simm.s32 @!p0 $0x108  }
0x21: {  	s3 =	sadd.s32 s3, s9;
	s6 =	sadd.s32 @!p0 $0x88, s6;
	s7 =	simm.s32 @p2 $0x1082  }
0x22: {  	[simem:s7], [sflag:s8] =	dma.local @!p0 [hbm:s6], $0xF7A  }
0x23: {  	s9 =	sor.u32 $0xD0000000, s2;
	s6 =	simm.s32 $0x108;
	_ =	swait.ge @!p0 [sflag:s8], $0x0  }
0x24: {  	s3 =	sadd.s32 $0x88, s3;
	s6 =	simm.s32 @!p1 $0x1082;
	[sflag:s4] =	ssyncset.s32 $0xFFFFF086  }
0x25: {  	[simem:s6], [sflag:s4] =	dma.local [hbm:s3], $0xF7A  }
0x26: {  	[smem:$0x3F9F] =	sst s1;
	(tag) =	ssettag s2;
	_ =	strace s9  }
0x27: {  	s1 =	sld [smem:$0x3FAF]  }
0x28: {  	s2 =	sld [smem:$0x3FB0]  }
0x29: {  	s4 =	sld [smem:$0x3FB2]  }
0x2a: {  	p0 =	seq.s32 s5, $0x0;
	s5 =	sld [smem:$0x3FB3]  }
0x2b: {  	s6 =	sld [smem:$0x3FB4]  }
0x2c: {  	s7 =	sld [smem:$0x3FB5]  }
0x2d: {  	s3 =	simm.s32 $0x108;
	s8 =	sld [smem:$0x3FB6]  }
0x2e: {  	s3 =	simm.s32 @!p0 $0x1082;
	s9 =	sld [smem:$0x3FB7]  }
0x2f: {  	lr =	sadd.s32 s0, s3;
	s0 =	sld [smem:$0x3FAE]  }
0x30: {  	s3 =	sld [smem:$0x3FB1]  }
0x31: {  	[smem:$0x3FBA] =	sst s10  }
0x32: {  	s10 =	sld [smem:$0x3FB8];
	_ =	sdelay $0x3  }
0x33: {  	p0 =	seq.s32 s10, $0x1;
	s10 =	sld [smem:$0x3FBA];
	_ =	sdelay $0x3  }
0x34: {  	[smem:$0x3FBA] =	sst s10  }
0x35: {  	s10 =	sld [smem:$0x3FB9];
	_ =	sdelay $0x3  }
0x36: {  	p1 =	seq.s32 s10, $0x1;
	s10 =	sld [smem:$0x3FBA];
	_ =	sdelay $0x3  }
0x37: {  	[smem:$0x3FBA] =	sst s10  }
0x38: {  	s10 =	sld [smem:$0x3FBB]  }
0x39: {  	_ = 	snop;
	(pc) =	sbr.ind lr, $3  }
0x3a: {  	_ = 	snop  }
0x3b: {  	_ = 	snop  }
0x3c: {  	p2 =	seq.s32 s10, $0x1;
	s10 =	sld [smem:$0x3FBA]  }
0x3d: {  	_ =	shalt  }
0x3e: {  	_ =	shalt  }
0x3f: {  	_ =	shalt  }
0x40: {  	_ =	shalt  }
0x41: {  	_ =	shalt  }
0x42: {  	_ =	shalt  }
0x43: {  	_ =	shalt  }
0x44: {  	_ =	shalt  }
0x45: {  	_ =	shalt  }
0x46: {  	_ =	shalt  }
0x47: {  	_ =	shalt  }
0x48: {  	_ =	shalt  }
0x49: {  	_ =	shalt  }
0x4a: {  	_ =	shalt  }
0x4b: {  	_ =	shalt  }
0x4c: {  	_ =	shalt  }
0x4d: {  	_ =	shalt  }
0x4e: {  	_ =	shalt  }
0x4f: {  	_ =	shalt  }
0x50: {  	_ =	shalt  }
0x51: {  	_ =	shalt  }
0x52: {  	_ =	shalt  }
0x53: {  	_ =	shalt  }
0x54: {  	_ =	shalt  }
0x55: {  	_ =	shalt  }
0x56: {  	_ =	shalt  }
0x57: {  	_ =	shalt  }
0x58: {  	_ =	shalt  }
0x59: {  	_ =	shalt  }
0x5a: {  	_ =	shalt  }
0x5b: {  	_ =	shalt  }
0x5c: {  	_ =	shalt  }
0x5d: {  	_ =	shalt  }
0x5e: {  	_ =	shalt  }
0x5f: {  	_ =	shalt  }
0x60: {  	_ =	shalt  }
0x61: {  	_ =	shalt  }
0x62: {  	_ =	shalt  }
0x63: {  	_ =	shalt  }
0x64: {  	_ =	shalt  }
0x65: {  	_ =	shalt  }
0x66: {  	_ =	shalt  }
0x67: {  	_ =	shalt  }
0x68: {  	_ =	shalt  }
0x69: {  	_ =	shalt  }
0x6a: {  	_ =	shalt  }
0x6b: {  	_ =	shalt  }
0x6c: {  	_ =	shalt  }
0x6d: {  	_ =	shalt  }
0x6e: {  	_ =	shalt  }
0x6f: {  	_ =	shalt  }
0x70: {  	_ =	shalt  }
0x71: {  	_ =	shalt  }
0x72: {  	_ =	shalt  }
0x73: {  	_ =	shalt  }
0x74: {  	_ =	shalt  }
0x75: {  	_ =	shalt  }
0x76: {  	_ =	shalt  }
0x77: {  	_ =	shalt  }
0x78: {  	_ =	shalt  }
0x79: {  	_ =	shalt  }
0x7a: {  	_ =	shalt  }
0x7b: {  	_ =	shalt  }
0x7c: {  	_ =	shalt  }
0x7d: {  	_ =	shalt  }
0x7e: {  	_ =	shalt  }
0x7f: {  	_ =	shalt  }
0x80: {  	_ =	shalt  }
0x81: {  	_ =	shalt  }
0x82: {  	_ =	shalt  }
0x83: {  	_ =	shalt  }
0x84: {  	_ =	shalt  }
0x85: {  	_ =	shalt  }
0x86: {  	_ =	shalt  }
0x87: {  	_ =	shalt  }
.Lfunc_end0:
.L_simem_size_0:
called_computation_lowered:
.L_overlay_start_0:
0x88: {  	s2 =	sld [smem:$0x3FD9]  }
0x89: {  	s3 =	sld [smem:$0x3FFE];
	_ =	sdelay $0x1  }
0x8a: {  	s1 =	srdreg.scid  }
0x8b: {  	s0 =	sand.u32 $0x1, s1  }
0x8c: {  	s14 =	sshll.u32 s0, $0xA;
	s2 =	sadd.s32 s3, s2  }
0x8d: {  	s2 =	sadd.s32 s2, s14  }
0x8e: {  	[smem:$0x3FC6] =	sst s2  }
0x8f: {  	_ = 	snop  }
0x90: {  	s2 =	sld [smem:$0x3FD0];
	_ =	sdelay $0x2  }
0x91: {  	s4 =	simm.s32 $0xA;
	s5 =	simm.s32 $0x10;
	s15 =	sld [smem:$0x3FC8]  }
0x92: {  	[smem:s5], [sflag:s4] =	dma.local [hbm:s2], $0x1  }
0x93: {  	_ =	swait.eq [sflag:s4], $0x1  }
0x94: {  	[sflag:s4] =	ssyncset.done $0x0  }
0x95: {  	s16 =	sld [smem:$0x10];
	[sflag:s4] =	ssyncadd.s32 $0xFFFFFFFF  }
0x96: {  	s17 =	sld [smem:$0x11];
	(tm) =	ssettm $0x1  }
0x97: {  	s18 =	sld [smem:$0x3FFB];
	_ =	sdelay $0x3  }
0x98: {  	_ =	strace s18  }
0x99: {  	s5 =	sld [smem:$0x3FFC];
	_ =	sdelay $0x3  }
0x9a: {  	_ =	strace s5  }
0x9b: {  	s5 =	sld [smem:$0x3FFD];
	_ =	sdelay $0x3  }
0x9c: {  	_ =	strace s5  }
0x9d: {  	_ =	strace $0x8FFFFFFF  }
0x9e: {  	s19 =	sld [smem:$0x3FDB];
	_ =	sdelay $0x1  }
0x9f: {  	s6 =	simm.s32 $_scs_section_size  }
0xa0: {  	s7 =	simm.s32 $_size__tile_overlayer_lowered;
	s8 =	simm.s32 $_tile_overlayer_lowered  }
0xa1: {  	s22 =	simm.s32 $0x1BFF;
	s21 =	sshll.u32 s8, $0x1;
	s5 =	sadd.s32 s6, s19  }
0xa2: {  	s9 =	simm.s32 $0x0;
	s20 =	sshll.u32 s7, $0x1;
	s7 =	sadd.s32 s21, s5  }
0xa3: {  	[timem:s9], [sflag:s22] =	dma.local [hbm:s7], s20  }
0xa4: {  	_ =	swait.ge [sflag:s22], s20  }
0xa5: {  	s6 =	ssub.s32 $0x0, s20;
	[sflag:s22] =	ssyncset.done $0x0  }
0xa6: {  	[sflag:s22] =	ssyncadd.s32 s6;
	_ =	sdelay $0x1  }
0xa7: {  	s23 =	simm.s32 $0x1B8B  }
0xa8: {  	_ =	swait.ge [sflag:s23], $0x1  }
0xa9: {  	[sflag:s23] =	ssyncset.done $0x0  }
0xaa: {  	s25 =	simm.s32 $0x1B8E;
	s24 =	sld [smem:$0x3FFE];
	[sflag:s23] =	ssyncadd.s32 $0xFFFFFFFF  }
0xab: {  	s26 =	simm.s32 $execute0_lowered;
	[smem:$0x3FD2] =	sst s25  }
0xac: {  	s7 =	sshll.u32 s26, $0x1;
	_ =	strace $0x80000046;
	[dreg:$0x1] =	wrdreg $0xFFFFFFFF  }
0xad: {  	s28 =	simm.s32 $_size_execute0_lowered;
	s5 =	sadd.s32 s5, s7;
	[dreg:$0x0] =	wrdreg $0x0  }
0xae: {  	s7 =	sshll.u32 s28, $0x1;
	[dreg:$0x2] =	wrdreg s5  }
0xaf: {  	[dreg:$0x3] =	wrdreg s7  }
0xb0: {  	[dreg:$0x4] =	wrdreg $0xC0  }
0xb1: {  	_ =	task [dreg:s9], $0x5FFFF  }
0xb2: {  	[dreg:$0x1] =	wrdreg $0xFFFFFFFF  }
0xb3: {  	[dreg:$0x0] =	wrdreg $0x60  }
0xb4: {  	[dreg:$0x2] =	wrdreg s24  }
0xb5: {  	[dreg:$0x3] =	wrdreg s15  }
0xb6: {  	[dreg:$0x4] =	wrdreg s16  }
0xb7: {  	[dreg:$0x5] =	wrdreg s17  }
0xb8: {  	[dreg:$0x6] =	wrdreg $0x111000  }
0xb9: {  	[dreg:$0x7] =	wrdreg $0x9  }
0xba: {  	_ =	task.clear_ibuf [dreg:s9], $0x8FFFF;
	_ =	strace $0x90000046  }
0xbb: {  	s29 =	simm.s32 $0x9;
	_ =	strace $0x80000048  }
0xbc: {  	_ =	swait.ge [sflag:s29], $0x1  }
0xbd: {  	[sflag:s29] =	ssyncadd.s32 $0xFFFFFFFF  }
0xbe: {  	_ =	strace $0x90000048  }
0xbf: {  	_ =	sfence  }
0xc0: {  	s30 =	sld [smem:$0x0];
	_ =	sdelay $0x2  }
0xc1: {  	s31 =	sshll.u32 s1, $0xD;
	s1 =	sshrl.u32 s1, $0x2  }
0xc2: {  	s3 =	sand.u32 $0x4000, s31;
	s1 =	sadd.s32 s1, s30  }
0xc3: {  	s0 =	sor.u32 s3, s0;
	s1 =	sshll.u32 s1, $0x11  }
0xc4: {  	s0 =	sor.u32 s1, s0  }
0xc5: {  	s0 =	sadd.s32 $0x8F2B, s0  }
0xc6: {  	[sflag:s0] =	ssyncadd.remote.s32 $0x1  }
0xc7: {  	_ =	sfence.sel $0xFFFF  }
0xc8: {  	[dreg:$0x0] =	wrdreg $0xFFFFFFFF;
	(pc) =	sbr.abs _section_cstart, $3  }
0xc9: {  	[dreg:$0x1] =	wrdreg $0xFFFFFFFF  }
0xca: {  	_ =	task.clear_ibuf [dreg:s9], $0x2FFFF;
	_ =	strace $0x9FFFFFFF  }
0xcb: {  	(tm) =	ssettm $0x7FFFFFFF  }
tec
execute0_lowered:
.L_overlay_start_1:
0x0: {  	(tag) =	ssettag $0x1  }
0x1: {  	s0 =	rddreg [dreg:$0x0]  }
0x2: {  	s2 =	rddreg [dreg:$0x2]  }
0x3: {  	s3 =	rddreg [dreg:$0x3]  }
0x4: {  	s4 =	rddreg [dreg:$0x4]  }
0x5: {  	s5 =	simm.s32 $0x0;
	s1 =	srdreg.scid;
	s7 =	stileid.u32  }
0x6: {  	s31 =	simm.s32 $0x68;
	s14 =	simm.s32 $0xDD00;
	s15 =	simm.s32 $0x1  }
0x7: {  	s16 =	simm.s32 $0xD00;
	s17 =	simm.s32 $0x2;
	s18 =	simm.s32 $0x4100  }
0x8: {  	s19 =	simm.s32 $0x3;
	s20 =	simm.s32 $0x7500;
	s21 =	simm.s32 $0x4  }
0x9: {  	[smem:$0x7FF] =	sst s5;
	s1 =	sand.u32 $0x1, s1;
	s6 =	sshll.u32 s7, $0x1  }
0xa: {  	s0 =	sadd.s32 $0x200, s0;
	s8 =	ssub.s32 $0x2, s1;
	s1 =	sor.u32 s1, s6  }
0xb: {  	_ =	strace $0x80000047;
	s9 =	sshrl.u32 s8, $0x1;
	s6 =	smul.u32 $0xC30, s1  }
0xc: {  	[dreg:$0x6] =	wrdreg s31;
	s1 =	sshll.u32 s1, $0x3;
	s8 =	ssub.s32 s8, s9  }
0xd: {  	s1 =	sor.u32 $0x18600, s1;
	s26 =	sshrl.u32 s6, $0x3;
	s30 =	smax.u32 s8, $0x1  }
0xe: {  	s10 =	sshrl.u32 s1, $0x3;
	s9 =	sadd.s32 s0, s26;
	[dreg:$0xb] =	wrdreg s30  }
0xf: {  	s1 =	sshll.u32 s1, $0x4;
	s0 =	sadd.s32 s0, s10;
	[dreg:$0x7] =	wrdreg s9  }
0x10: {  	s22 =	simm.s32 $0xA900;
	s28 =	sadd.s32 s2, s1;
	[dreg:$0x8] =	wrdreg s0  }
0x11: {  	p0 =	sne.s32 s7, $0x0;
	s29 =	sadd.s32 s3, s1;
	[dreg:$0x9] =	wrdreg s28  }
0x12: {  	s23 =	simm.s32 $0x5;
	[dreg:$0xa] =	wrdreg s29;
	s0 =	sshrl.u32 @!p0 s4, $0x3  }
0x13: {  	p1 =	sgt.u32 s7, $0x9;
	s1 =	simm.s32 $0x0;
	[dreg:$0xc] =	wrdreg s0  }
.LBB2_1:
0x14: {  	[dreg:$0xd] =	wrdreg s1  }
0x15: {  	s1 =	rddreg [dreg:$0x1]  }
0x16: {  	s0 =	simm.s32 @!p0 $0x1C0B;
	s7 =	rddreg [dreg:$0xc]  }
0x17: {  	[spmem:s7], [sflag:s0] =	dma.local @!p0 [hbm:s1], $0x400  }
0x18: {  	s0 =	simm.s32 @!p0 $0xB  }
0x19: {  	_ =	swait.ge @!p0 [sflag:s0], $0x400  }
0x1a: {  	[sflag:s0] =	ssyncset.done @!p0 $0x0  }
0x1b: {  	s29 =	simm.s32 $0xB;
	s28 =	rddreg [dreg:$0x7];
	[sflag:s0] =	ssyncadd.s32 @!p0 $0xFFFFFC00  }
0x1c: {  	[tilespmem:s5], [sflag:$0xB] =	stream.linear.gather [hbm4b:s28+s5], $0xC30, $0x38;
	[tilespmem:$0x11300] =	vst v63  }
0x1d: {  	_ =	swait.ge [sflag:s29], $0xC30  }
0x1e: {  	p2 =	por $0x0, $0x0;
	[sflag:s29] =	ssyncset.done $0x0  }
0x1f: {  	p3 =	por p2, p2;
	[sflag:s29] =	ssyncadd.s32 $0xFFFFF3D0  }
0x20: {  	s0 =	simm.s32 @p3 $0x6;
	[bflag:$0x0] =	sbarrier.arrive $0xFFFF  }
0x21: {  	_ =	swait.ge @p3 [sflag:s0], $0x3400  }
0x22: {  	[sflag:s0] =	ssyncset.done @p3 $0x0  }
0x23: {  	[sflag:s0] =	ssyncadd.s32 @p3 $0xFFFFCC00  }
0x24: {  	_ =	swait.ge @p3 [sflag:s0], $0x3400  }
0x25: {  	s1 =	simm.s32 @p3 $0xD00;
	s7 =	simm.s32 @p3 $0x7;
	[sflag:s0] =	ssyncset.done @p3 $0x0  }
0x26: {  	s8 =	simm.s32 @p3 $0x68;
	[sflag:s0] =	ssyncadd.s32 @p3 $0xFFFFCC00;
	s0 =	simm.s32 @p3 $0x0  }
0x27: {  	[tilespmem:s1], [sflag:$0x1] =	stream.indirect.gather @p3 [spmem:s4], $0x80, s0, s8, $0xb8;
	[tilespmem:$0x11300] =	vst v63  }
0x28: {  	_ =	swait.ge @p3 [sflag:s7], $0x3400  }
0x29: {  	[sflag:s7] =	ssyncset.done @p3 $0x0  }
0x2a: {  	[sflag:s7] =	ssyncadd.s32 @p3 $0xFFFFCC00  }
0x2b: {  	_ =	swait.ge @p3 [sflag:s7], $0x3400  }
0x2c: {  	s0 =	simm.s32 @p3 $0x8;
	[sflag:s7] =	ssyncset.done @p3 $0x0  }
0x2d: {  	s1 =	simm.s32 @p3 $0x68;
	[sflag:s7] =	ssyncadd.s32 @p3 $0xFFFFCC00;
	s7 =	simm.s32 @p3 $0x4100  }
0x2e: {  	[tilespmem:s7], [sflag:$0x2] =	stream.indirect.gather @p3 [spmem:s4], $0x80, s1, s8, $0xb8;
	[tilespmem:$0x11300] =	vst v63  }
0x2f: {  	_ =	swait.ge @p3 [sflag:s0], $0x3400  }
0x30: {  	[sflag:s0] =	ssyncset.done @p3 $0x0  }
0x31: {  	[sflag:s0] =	ssyncadd.s32 @p3 $0xFFFFCC00  }
0x32: {  	_ =	swait.ge @p3 [sflag:s0], $0x3400  }
0x33: {  	s1 =	simm.s32 @p3 $0x9;
	[sflag:s0] =	ssyncset.done @p3 $0x0  }
0x34: {  	s7 =	simm.s32 @p3 $0x7500;
	[sflag:s0] =	ssyncadd.s32 @p3 $0xFFFFCC00;
	s0 =	simm.s32 @p3 $0xD0  }
0x35: {  	[tilespmem:s7], [sflag:$0x3] =	stream.indirect.gather @p3 [spmem:s4], $0x80, s0, s8, $0xb8;
	[tilespmem:$0x11300] =	vst v63  }
0x36: {  	_ =	swait.ge @p3 [sflag:s1], $0x3400  }
0x37: {  	[sflag:s1] =	ssyncset.done @p3 $0x0  }
0x38: {  	[sflag:s1] =	ssyncadd.s32 @p3 $0xFFFFCC00  }
0x39: {  	_ =	swait.ge @p3 [sflag:s1], $0x3400  }
0x3a: {  	s0 =	simm.s32 $0x138;
	[sflag:s1] =	ssyncset.done @p3 $0x0  }
0x3b: {  	s7 =	simm.s32 @p3 $0xA;
	[sflag:s1] =	ssyncadd.s32 @p3 $0xFFFFCC00;
	s1 =	simm.s32 @p3 $0xA900  }
0x3c: {  	[tilespmem:s1], [sflag:$0x4] =	stream.indirect.gather @p3 [spmem:s4], $0x80, s0, s8, $0xb8;
	[tilespmem:$0x11300] =	vst v63  }
0x3d: {  	_ =	swait.ge @p3 [sflag:s7], $0x3400  }
0x3e: {  	[sflag:s7] =	ssyncset.done @p3 $0x0  }
0x3f: {  	[sflag:s7] =	ssyncadd.s32 @p3 $0xFFFFCC00  }
0x40: {  	_ =	swait.ge @p3 [sflag:s7], $0x3400  }
0x41: {  	s0 =	simm.s32 @!p3 $0xD00;
	[sflag:s7] =	ssyncset.done @p3 $0x0  }
0x42: {  	s1 =	simm.s32 @!p3 $0x68;
	[sflag:s7] =	ssyncadd.s32 @p3 $0xFFFFCC00;
	s7 =	simm.s32 @!p3 $0x0  }
0x43: {  	[tilespmem:s0], [sflag:$0x1] =	stream.indirect.gather @!p3 [spmem:s4], $0x80, s7, s1, $0xb8;
	[tilespmem:$0x11300] =	vst v63  }
0x44: {  	s0 =	simm.s32 @p2 $0x0  }
0x45: {  	s10 =	simm.s32 $0x548;
	s7 =	simm.s32 @!p3 $0x4100;
	s0 =	simm.s32 @!p2 $0x0  }
0x46: {  	[tilespmem:s7], [sflag:$0x2] =	stream.indirect.gather @!p3 [spmem:s4], $0x80, s1, s1, $0xb8;
	[tilespmem:$0x11300] =	vst v63  }
0x47: {  	s8 =	simm.s32 @!p3 $0x7500;
	s7 =	simm.s32 @!p3 $0xD0;
	s30 =	sadd.s32 $0x1A0, s0  }
0x48: {  	[tilespmem:s8], [sflag:$0x3] =	stream.indirect.gather @!p3 [spmem:s4], $0x80, s7, s1, $0xb8;
	[tilespmem:$0x11300] =	vst v63  }
0x49: {  	s0 =	sadd.s32 s6, s0;
	s7 =	simm.s32 @!p3 $0x138;
	s8 =	simm.s32 @!p3 $0xA900  }
0x4a: {  	[tilespmem:s8], [sflag:$0x4] =	stream.indirect.gather @!p3 [spmem:s4], $0x80, s7, s1, $0xb8;
	[tilespmem:$0x11300] =	vst v63  }
0x4b: {  	s9 =	rddreg [dreg:$0x6];
	s0 =	sshll.u32 s0, $0x4;
	s7 =	simm.s32 @p2 $0x68  }
0x4c: {  	[tilespmem:s14], [sflag:$0x5] =	stream.indirect.gather [spmem:s4], $0x80, s30, s9, $0xb8;
	[tilespmem:$0x11300] =	vst v63  }
0x4d: {  	s11 =	sadd.s32 s2, s0;
	s7 =	simm.s32 @!p2 $0x68;
	_ =	swait.ge [sflag:s15], $0x3400  }
0x4e: {  	s12 =	sadd.s32 s6, s7;
	s7 =	simm.s32 @p2 $0xD0;
	[sflag:s15] =	ssyncset.done $0x0  }
0x4f: {  	s0 =	sadd.s32 s3, s0;
	s7 =	simm.s32 @!p2 $0xD0;
	[sflag:s15] =	ssyncadd.s32 $0xFFFFCC00  }
0x50: {  	[hbm4b:s11+s5] =	stream.linear.scatter [tilespmem:s16], [sflag:$0x6], $0x3400, $0x38;
	[tilespmem:$0x11300] =	vst v63  }
0x51: {  	s8 =	simm.s32 $0x340;
	s24 =	sadd.s32 s6, s7;
	s7 =	simm.s32 $0x138  }
0x52: {  	[hbm4b:s0+s5] =	stream.linear.scatter [tilespmem:s16], [sflag:$0x6], $0x3400, $0x38;
	[tilespmem:$0x11300] =	vst v63  }
0x53: {  	s1 =	sadd.s32 s6, s30;
	s7 =	simm.s32 @!p2 $0x138;
	_ =	swait.ge [sflag:s17], $0x3400  }
0x54: {  	p2 =	por $0x1, $0x1;
	s0 =	sshll.u32 s12, $0x4;
	[sflag:s17] =	ssyncset.done $0x0  }
0x55: {  	s7 =	sadd.s32 s6, s7;
	s13 =	sadd.s32 s2, s0;
	[sflag:s17] =	ssyncadd.s32 $0xFFFFCC00  }
0x56: {  	[hbm4b:s13+s5] =	stream.linear.scatter [tilespmem:s18], [sflag:$0x7], $0x3400, $0x38;
	[tilespmem:$0x11300] =	vst v63  }
0x57: {  	s9 =	simm.s32 @p2 $0x270;
	s11 =	sshll.u32 s1, $0x4;
	s0 =	sadd.s32 s3, s0  }
0x58: {  	[hbm4b:s0+s5] =	stream.linear.scatter [tilespmem:s18], [sflag:$0x7], $0x3400, $0x38;
	[tilespmem:$0x11300] =	vst v63  }
0x59: {  	s1 =	simm.s32 $0x340;
	s7 =	sshll.u32 s7, $0x4;
	_ =	swait.ge [sflag:s19], $0x3400  }
0x5a: {  	s9 =	simm.s32 @!p2 $0x68;
	s0 =	sshll.u32 s24, $0x4;
	[sflag:s19] =	ssyncset.done $0x0  }
0x5b: {  	s1 =	simm.s32 @!p2 $0x138;
	s25 =	sadd.s32 s2, s0;
	[sflag:s19] =	ssyncadd.s32 $0xFFFFCC00  }
0x5c: {  	[hbm4b:s25+s5] =	stream.linear.scatter [tilespmem:s20], [sflag:$0x8], $0x3400, $0x38;
	[tilespmem:$0x11300] =	vst v63  }
0x5d: {  	s26 =	sadd.s32 s2, s7;
	s7 =	sadd.s32 s3, s7;
	s0 =	sadd.s32 s3, s0  }
0x5e: {  	[hbm4b:s0+s5] =	stream.linear.scatter [tilespmem:s20], [sflag:$0x8], $0x3400, $0x38;
	[tilespmem:$0x11300] =	vst v63  }
0x5f: {  	s12 =	sadd.s32 s2, s11;
	s29 =	sadd.s32 s6, s9;
	_ =	swait.ge [sflag:s21], $0x3400  }
0x60: {  	s1 =	sadd.s32 s6, s1;
	s13 =	simm.s32 @p2 $0x2D8;
	[sflag:s21] =	ssyncset.done $0x0  }
0x61: {  	s11 =	sadd.s32 s3, s11;
	s13 =	simm.s32 @!p2 $0xD0;
	[sflag:s21] =	ssyncadd.s32 $0xFFFFCC00  }
0x62: {  	[hbm4b:s26+s5] =	stream.linear.scatter [tilespmem:s22], [sflag:$0x9], $0x3400, $0x38;
	[tilespmem:$0x11300] =	vst v63  }
0x63: {  	s31 =	sshll.u32 s1, $0x4;
	s30 =	sadd.s32 s6, s13;
	s0 =	simm.s32 @p2 $0x208  }
0x64: {  	[hbm4b:s7+s5] =	stream.linear.scatter [tilespmem:s22], [sflag:$0x9], $0x3400, $0x38;
	[tilespmem:$0x11300] =	vst v63  }
0x65: {  	s1 =	sshll.u32 s30, $0x4;
	s0 =	simm.s32 @!p2 $0x0;
	_ =	swait.ge [sflag:s23], $0x3400  }
0x66: {  	p2 =	por p2, p2;
	s28 =	sadd.s32 s6, s0;
	[sflag:s23] =	ssyncset.done $0x0  }
0x67: {  	s9 =	sshll.u32 s28, $0x4;
	s7 =	sshll.u32 s29, $0x4;
	[sflag:s23] =	ssyncadd.s32 $0xFFFFCC00  }
0x68: {  	[hbm4b:s12+s5] =	stream.linear.scatter [tilespmem:s14], [sflag:$0xA], $0x3400, $0x38;
	[tilespmem:$0x11300] =	vst v63  }
.LBB2_2:
0x69: {  	[hbm4b:s11+s5] =	stream.linear.scatter [tilespmem:s14], [sflag:$0xA], $0x3400, $0x38;
	[tilespmem:$0x11300] =	vst v63  }
0x6a: {  	s13 =	simm.s32 @p2 $0x6  }
0x6b: {  	_ =	swait.ge @p2 [sflag:s13], $0x3400  }
0x6c: {  	[sflag:s13] =	ssyncset.done @p2 $0x0  }
0x6d: {  	[sflag:s13] =	ssyncadd.s32 @p2 $0xFFFFCC00  }
0x6e: {  	_ =	swait.ge @p2 [sflag:s13], $0x3400  }
0x6f: {  	s26 =	simm.s32 @p2 $0xD00;
	s28 =	simm.s32 @p2 $0x7;
	[sflag:s13] =	ssyncset.done @p2 $0x0  }
0x70: {  	s29 =	simm.s32 @p2 $0x68;
	[sflag:s13] =	ssyncadd.s32 @p2 $0xFFFFCC00;
	s13 =	sadd.s32 @p2 $0xFFFFFEC8, s8  }
0x71: {  	[tilespmem:s26], [sflag:$0x1] =	stream.indirect.gather @p2 [spmem:s4], $0x80, s13, s29, $0xb8;
	[tilespmem:$0x11300] =	vst v63  }
0x72: {  	_ =	swait.ge @p2 [sflag:s28], $0x3400  }
0x73: {  	[sflag:s28] =	ssyncset.done @p2 $0x0  }
0x74: {  	[sflag:s28] =	ssyncadd.s32 @p2 $0xFFFFCC00  }
0x75: {  	_ =	swait.ge @p2 [sflag:s28], $0x3400  }
0x76: {  	s30 =	simm.s32 @p2 $0x4100;
	[sflag:s28] =	ssyncset.done @p2 $0x0  }
0x77: {  	s26 =	simm.s32 @p2 $0x8;
	[sflag:s28] =	ssyncadd.s32 @p2 $0xFFFFCC00;
	s28 =	sadd.s32 @p2 $0xFFFFFF30, s8  }
0x78: {  	[tilespmem:s30], [sflag:$0x2] =	stream.indirect.gather @p2 [spmem:s4], $0x80, s28, s29, $0xb8;
	[tilespmem:$0x11300] =	vst v63  }
0x79: {  	_ =	swait.ge @p2 [sflag:s26], $0x3400  }
0x7a: {  	[sflag:s26] =	ssyncset.done @p2 $0x0  }
0x7b: {  	[sflag:s26] =	ssyncadd.s32 @p2 $0xFFFFCC00  }
0x7c: {  	_ =	swait.ge @p2 [sflag:s26], $0x3400  }
0x7d: {  	s28 =	simm.s32 @p2 $0x9;
	[sflag:s26] =	ssyncset.done @p2 $0x0  }
0x7e: {  	s30 =	simm.s32 @p2 $0x7500;
	[sflag:s26] =	ssyncadd.s32 @p2 $0xFFFFCC00;
	s26 =	sadd.s32 @p2 $0xFFFFFF98, s8  }
0x7f: {  	[tilespmem:s30], [sflag:$0x3] =	stream.indirect.gather @p2 [spmem:s4], $0x80, s26, s29, $0xb8;
	[tilespmem:$0x11300] =	vst v63  }
0x80: {  	_ =	swait.ge @p2 [sflag:s28], $0x3400  }
0x81: {  	[sflag:s28] =	ssyncset.done @p2 $0x0  }
0x82: {  	[sflag:s28] =	ssyncadd.s32 @p2 $0xFFFFCC00  }
0x83: {  	_ =	swait.ge @p2 [sflag:s28], $0x3400  }
0x84: {  	[sflag:s28] =	ssyncset.done @p2 $0x0  }
0x85: {  	s26 =	simm.s32 @p2 $0xA900;
	[sflag:s28] =	ssyncadd.s32 @p2 $0xFFFFCC00;
	s28 =	simm.s32 @p2 $0xA  }
0x86: {  	[tilespmem:s26], [sflag:$0x4] =	stream.indirect.gather @p2 [spmem:s4], $0x80, s8, s29, $0xb8;
	[tilespmem:$0x11300] =	vst v63  }
0x87: {  	_ =	swait.ge @p2 [sflag:s28], $0x3400  }
0x88: {  	[sflag:s28] =	ssyncset.done @p2 $0x0  }
0x89: {  	[sflag:s28] =	ssyncadd.s32 @p2 $0xFFFFCC00  }
0x8a: {  	_ =	swait.ge @p2 [sflag:s28], $0x3400  }
0x8b: {  	s26 =	simm.s32 @!p2 $0xD00;
	[sflag:s28] =	ssyncset.done @p2 $0x0  }
0x8c: {  	s29 =	simm.s32 @!p2 $0x0;
	[sflag:s28] =	ssyncadd.s32 @p2 $0xFFFFCC00;
	s28 =	simm.s32 @!p2 $0x68  }
0x8d: {  	[tilespmem:s26], [sflag:$0x1] =	stream.indirect.gather @!p2 [spmem:s4], $0x80, s29, s28, $0xb8;
	[tilespmem:$0x11300] =	vst v63  }
0x8e: {  	s26 =	simm.s32 @!p2 $0x4100  }
0x8f: {  	[tilespmem:s26], [sflag:$0x2] =	stream.indirect.gather @!p2 [spmem:s4], $0x80, s28, s28, $0xb8;
	[tilespmem:$0x11300] =	vst v63  }
0x90: {  	s29 =	simm.s32 @!p2 $0x7500;
	s26 =	simm.s32 @!p2 $0xD0  }
0x91: {  	[tilespmem:s29], [sflag:$0x3] =	stream.indirect.gather @!p2 [spmem:s4], $0x80, s26, s28, $0xb8;
	[tilespmem:$0x11300] =	vst v63  }
0x92: {  	s26 =	simm.s32 @!p2 $0x138;
	s29 =	simm.s32 @!p2 $0xA900  }
0x93: {  	[tilespmem:s29], [sflag:$0x4] =	stream.indirect.gather @!p2 [spmem:s4], $0x80, s26, s28, $0xb8;
	[tilespmem:$0x11300] =	vst v63  }
0x94: {  	s30 =	rddreg [dreg:$0x6];
	s28 =	sadd.s32 $0x1A0, s0  }
0x95: {  	[tilespmem:s14], [sflag:$0x5] =	stream.indirect.gather [spmem:s4], $0x80, s28, s30, $0xb8;
	[tilespmem:$0x11300] =	vst v63  }
0x96: {  	_ =	swait.ge [sflag:s15], $0x3400  }
0x97: {  	s11 =	smov.u32 s10;
	[sflag:s15] =	ssyncset.done $0x0  }
0x98: {  	p4 =	sne.s32 s11, $0x138;
	s30 =	sadd.s32 s2, s9;
	[sflag:s15] =	ssyncadd.s32 $0xFFFFCC00  }
0x99: {  	[hbm4b:s30+s5] =	stream.linear.scatter [tilespmem:s16], [sflag:$0x6], $0x3400, $0x38;
	[tilespmem:$0x11300] =	vst v63  }
0x9a: {  	s25 =	sadd.s32 @p4 $0xFFFFFEC8, s11;
	s29 =	sadd.s32 s6, s28;
	s28 =	sadd.s32 s3, s9  }
0x9b: {  	[hbm4b:s28+s5] =	stream.linear.scatter [tilespmem:s16], [sflag:$0x6], $0x3400, $0x38;
	[tilespmem:$0x11300] =	vst v63  }
0x9c: {  	s25 =	simm.s32 @!p4 $0x0;
	_ =	swait.ge [sflag:s17], $0x3400  }
0x9d: {  	s24 =	sadd.s32 s6, s25;
	s0 =	smov.u32 s25;
	[sflag:s17] =	ssyncset.done $0x0  }
0x9e: {  	s25 =	sshll.u32 s29, $0x4;
	s29 =	sadd.s32 s2, s7;
	[sflag:s17] =	ssyncadd.s32 $0xFFFFCC00  }
0x9f: {  	[hbm4b:s29+s5] =	stream.linear.scatter [tilespmem:s18], [sflag:$0x7], $0x3400, $0x38;
	[tilespmem:$0x11300] =	vst v63  }
0xa0: {  	s30 =	sadd.s32 s3, s7  }
0xa1: {  	[hbm4b:s30+s5] =	stream.linear.scatter [tilespmem:s18], [sflag:$0x7], $0x3400, $0x38;
	[tilespmem:$0x11300] =	vst v63  }
0xa2: {  	s10 =	sadd.s32 $0x208, s10;
	s12 =	sadd.s32 @p4 $0xFFFFFF30, s11;
	_ =	swait.ge [sflag:s19], $0x3400  }
0xa3: {  	s12 =	simm.s32 @!p4 $0x68;
	s24 =	sshll.u32 s24, $0x4;
	[sflag:s19] =	ssyncset.done $0x0  }
0xa4: {  	s9 =	smov.u32 s24;
	s24 =	sadd.s32 s2, s1;
	[sflag:s19] =	ssyncadd.s32 $0xFFFFCC00  }
0xa5: {  	[hbm4b:s24+s5] =	stream.linear.scatter [tilespmem:s20], [sflag:$0x8], $0x3400, $0x38;
	[tilespmem:$0x11300] =	vst v63  }
0xa6: {  	p3 =	sne.s32 s10, $0xD68;
	s12 =	sadd.s32 s6, s12;
	s26 =	sadd.s32 s3, s1  }
0xa7: {  	[hbm4b:s26+s5] =	stream.linear.scatter [tilespmem:s20], [sflag:$0x8], $0x3400, $0x38;
	[tilespmem:$0x11300] =	vst v63  }
0xa8: {  	s12 =	sshll.u32 s12, $0x4;
	s13 =	sadd.s32 @p4 $0xFFFFFF98, s11;
	_ =	swait.ge [sflag:s21], $0x3400  }
0xa9: {  	s11 =	simm.s32 @!p4 $0x138;
	s13 =	simm.s32 @!p4 $0xD0;
	[sflag:s21] =	ssyncset.done $0x0  }
0xaa: {  	s11 =	sadd.s32 s6, s11;
	s28 =	sadd.s32 s2, s31;
	[sflag:s21] =	ssyncadd.s32 $0xFFFFCC00  }
0xab: {  	[hbm4b:s28+s5] =	stream.linear.scatter [tilespmem:s22], [sflag:$0x9], $0x3400, $0x38;
	[tilespmem:$0x11300] =	vst v63  }
0xac: {  	s13 =	sadd.s32 s6, s13;
	s11 =	sshll.u32 s11, $0x4;
	s29 =	sadd.s32 s3, s31  }
0xad: {  	[hbm4b:s29+s5] =	stream.linear.scatter [tilespmem:s22], [sflag:$0x9], $0x3400, $0x38;
	[tilespmem:$0x11300] =	vst v63  }
.Ltmp0:
0xae: {  	s13 =	sshll.u32 s13, $0x4;
	s8 =	sadd.s32 $0x208, s8;
	(pc) =	sbr.rel @p3 .LBB2_2-.Ltmp0, $4  }
0xaf: {  	p2 =	por p4, p4;
	s1 =	smov.u32 s13;
	_ =	swait.ge [sflag:s23], $0x3400  }
0xb0: {  	s7 =	smov.u32 s12;
	s31 =	smov.u32 s11;
	[sflag:s23] =	ssyncset.done $0x0  }
0xb1: {  	s11 =	sadd.s32 s3, s25;
	s30 =	sadd.s32 s2, s25;
	[sflag:s23] =	ssyncadd.s32 $0xFFFFCC00  }
0xb2: {  	[hbm4b:s30+s5] =	stream.linear.scatter [tilespmem:s14], [sflag:$0xA], $0x3400, $0x38;
	[tilespmem:$0x11300] =	vst v63  }
0xb3: {  	[hbm4b:s11+s5] =	stream.linear.scatter [tilespmem:s14], [sflag:$0xA], $0x3400, $0x38;
	[tilespmem:$0x11300] =	vst v63  }
0xb4: {  	s10 =	simm.s32 @p2 $0x6  }
0xb5: {  	_ =	swait.ge @p2 [sflag:s10], $0x3400  }
0xb6: {  	[sflag:s10] =	ssyncset.done @p2 $0x0  }
0xb7: {  	[sflag:s10] =	ssyncadd.s32 @p2 $0xFFFFCC00  }
0xb8: {  	_ =	swait.ge @p2 [sflag:s10], $0x3400  }
0xb9: {  	s11 =	simm.s32 @p2 $0xD00;
	[sflag:s10] =	ssyncset.done @p2 $0x0  }
0xba: {  	s12 =	simm.s32 @p2 $0x68;
	[sflag:s10] =	ssyncadd.s32 @p2 $0xFFFFCC00;
	s10 =	sadd.s32 @p2 $0xFFFFFEC8, s8  }
0xbb: {  	[tilespmem:s11], [sflag:$0x1] =	stream.indirect.gather @p2 [spmem:s4], $0x80, s10, s12, $0xb8;
	[tilespmem:$0x11300] =	vst v63  }
0xbc: {  	s10 =	simm.s32 @p2 $0x7  }
0xbd: {  	_ =	swait.ge @p2 [sflag:s10], $0x3400  }
0xbe: {  	[sflag:s10] =	ssyncset.done @p2 $0x0  }
0xbf: {  	[sflag:s10] =	ssyncadd.s32 @p2 $0xFFFFCC00  }
0xc0: {  	_ =	swait.ge @p2 [sflag:s10], $0x3400  }
0xc1: {  	[sflag:s10] =	ssyncset.done @p2 $0x0  }
0xc2: {  	s11 =	simm.s32 @p2 $0x4100;
	[sflag:s10] =	ssyncadd.s32 @p2 $0xFFFFCC00;
	s10 =	sadd.s32 @p2 $0xFFFFFF30, s8  }
0xc3: {  	[tilespmem:s11], [sflag:$0x2] =	stream.indirect.gather @p2 [spmem:s4], $0x80, s10, s12, $0xb8;
	[tilespmem:$0x11300] =	vst v63  }
0xc4: {  	s10 =	simm.s32 @p2 $0x8  }
0xc5: {  	_ =	swait.ge @p2 [sflag:s10], $0x3400  }
0xc6: {  	[sflag:s10] =	ssyncset.done @p2 $0x0  }
0xc7: {  	[sflag:s10] =	ssyncadd.s32 @p2 $0xFFFFCC00  }
0xc8: {  	_ =	swait.ge @p2 [sflag:s10], $0x3400  }
0xc9: {  	[sflag:s10] =	ssyncset.done @p2 $0x0  }
0xca: {  	s11 =	simm.s32 @p2 $0x7500;
	[sflag:s10] =	ssyncadd.s32 @p2 $0xFFFFCC00;
	s10 =	sadd.s32 @p2 $0xFFFFFF98, s8  }
0xcb: {  	[tilespmem:s11], [sflag:$0x3] =	stream.indirect.gather @p2 [spmem:s4], $0x80, s10, s12, $0xb8;
	[tilespmem:$0x11300] =	vst v63  }
0xcc: {  	s10 =	simm.s32 @p2 $0x9  }
0xcd: {  	_ =	swait.ge @p2 [sflag:s10], $0x3400  }
0xce: {  	[sflag:s10] =	ssyncset.done @p2 $0x0  }
0xcf: {  	[sflag:s10] =	ssyncadd.s32 @p2 $0xFFFFCC00  }
0xd0: {  	_ =	swait.ge @p2 [sflag:s10], $0x3400  }
0xd1: {  	[sflag:s10] =	ssyncset.done @p2 $0x0  }
0xd2: {  	s11 =	simm.s32 @p2 $0xA;
	[sflag:s10] =	ssyncadd.s32 @p2 $0xFFFFCC00;
	s10 =	simm.s32 @p2 $0xA900  }
0xd3: {  	[tilespmem:s10], [sflag:$0x4] =	stream.indirect.gather @p2 [spmem:s4], $0x80, s8, s12, $0xb8;
	[tilespmem:$0x11300] =	vst v63  }
0xd4: {  	_ =	swait.ge @p2 [sflag:s11], $0x3400  }
0xd5: {  	[sflag:s11] =	ssyncset.done @p2 $0x0  }
0xd6: {  	[sflag:s11] =	ssyncadd.s32 @p2 $0xFFFFCC00  }
0xd7: {  	_ =	swait.ge @p2 [sflag:s11], $0x3400  }
0xd8: {  	s8 =	simm.s32 @!p2 $0xD00;
	[sflag:s11] =	ssyncset.done @p2 $0x0  }
0xd9: {  	s10 =	simm.s32 @!p2 $0x68;
	[sflag:s11] =	ssyncadd.s32 @p2 $0xFFFFCC00;
	s11 =	simm.s32 @!p2 $0x0  }
0xda: {  	[tilespmem:s8], [sflag:$0x1] =	stream.indirect.gather @!p2 [spmem:s4], $0x80, s11, s10, $0xb8;
	[tilespmem:$0x11300] =	vst v63  }
0xdb: {  	s8 =	simm.s32 @!p2 $0x4100  }
0xdc: {  	[tilespmem:s8], [sflag:$0x2] =	stream.indirect.gather @!p2 [spmem:s4], $0x80, s10, s10, $0xb8;
	[tilespmem:$0x11300] =	vst v63  }
0xdd: {  	s11 =	simm.s32 @!p2 $0x7500;
	s8 =	simm.s32 @!p2 $0xD0  }
0xde: {  	[tilespmem:s11], [sflag:$0x3] =	stream.indirect.gather @!p2 [spmem:s4], $0x80, s8, s10, $0xb8;
	[tilespmem:$0x11300] =	vst v63  }
0xdf: {  	s8 =	simm.s32 @!p2 $0x138;
	s11 =	simm.s32 @!p2 $0xA900  }
0xe0: {  	[tilespmem:s11], [sflag:$0x4] =	stream.indirect.gather @!p2 [spmem:s4], $0x80, s8, s10, $0xb8;
	[tilespmem:$0x11300] =	vst v63  }
0xe1: {  	s0 =	sadd.s32 $0x1A0, s0;
	s26 =	rddreg [dreg:$0x6]  }
0xe2: {  	[tilespmem:s14], [sflag:$0x5] =	stream.indirect.gather [spmem:s4], $0x80, s0, s26, $0xb8;
	[tilespmem:$0x11300] =	vst v63  }
0xe3: {  	_ =	swait.ge [sflag:s15], $0x3400  }
0xe4: {  	[sflag:s15] =	ssyncset.done $0x0  }
0xe5: {  	s28 =	sadd.s32 s2, s9;
	[sflag:s15] =	ssyncadd.s32 $0xFFFFCC00  }
0xe6: {  	[hbm4b:s28+s5] =	stream.linear.scatter [tilespmem:s16], [sflag:$0x6], $0x3400, $0x38;
	[tilespmem:$0x11300] =	vst v63  }
0xe7: {  	s29 =	sadd.s32 s3, s9  }
0xe8: {  	[hbm4b:s29+s5] =	stream.linear.scatter [tilespmem:s16], [sflag:$0x6], $0x3400, $0x38;
	[tilespmem:$0x11300] =	vst v63  }
0xe9: {  	_ =	swait.ge [sflag:s17], $0x3400  }
0xea: {  	[sflag:s17] =	ssyncset.done $0x0  }
0xeb: {  	s30 =	sadd.s32 s2, s7;
	[sflag:s17] =	ssyncadd.s32 $0xFFFFCC00  }
0xec: {  	[hbm4b:s30+s5] =	stream.linear.scatter [tilespmem:s18], [sflag:$0x7], $0x3400, $0x38;
	[tilespmem:$0x11300] =	vst v63  }
0xed: {  	s8 =	sadd.s32 s3, s7  }
0xee: {  	[hbm4b:s8+s5] =	stream.linear.scatter [tilespmem:s18], [sflag:$0x7], $0x3400, $0x38;
	[tilespmem:$0x11300] =	vst v63  }
0xef: {  	_ =	swait.ge [sflag:s19], $0x3400  }
0xf0: {  	[sflag:s19] =	ssyncset.done $0x0  }
0xf1: {  	s9 =	sadd.s32 s2, s1;
	[sflag:s19] =	ssyncadd.s32 $0xFFFFCC00  }
0xf2: {  	[hbm4b:s9+s5] =	stream.linear.scatter [tilespmem:s20], [sflag:$0x8], $0x3400, $0x38;
	[tilespmem:$0x11300] =	vst v63  }
0xf3: {  	s10 =	sadd.s32 s3, s1  }
0xf4: {  	[hbm4b:s10+s5] =	stream.linear.scatter [tilespmem:s20], [sflag:$0x8], $0x3400, $0x38;
	[tilespmem:$0x11300] =	vst v63  }
0xf5: {  	_ =	swait.ge [sflag:s21], $0x3400  }
0xf6: {  	[sflag:s21] =	ssyncset.done $0x0  }
0xf7: {  	s11 =	sadd.s32 s2, s31;
	[sflag:s21] =	ssyncadd.s32 $0xFFFFCC00  }
0xf8: {  	[hbm4b:s11+s5] =	stream.linear.scatter [tilespmem:s22], [sflag:$0x9], $0x3400, $0x38;
	[tilespmem:$0x11300] =	vst v63  }
0xf9: {  	s12 =	sadd.s32 s3, s31  }
0xfa: {  	[hbm4b:s12+s5] =	stream.linear.scatter [tilespmem:s22], [sflag:$0x9], $0x3400, $0x38;
	[tilespmem:$0x11300] =	vst v63  }
0xfb: {  	s0 =	sadd.s32 s6, s0;
	_ =	swait.ge [sflag:s23], $0x3400  }
0xfc: {  	s0 =	sshll.u32 s0, $0x4;
	[sflag:s23] =	ssyncset.done $0x0  }
0xfd: {  	s13 =	sadd.s32 s2, s0;
	[sflag:s23] =	ssyncadd.s32 $0xFFFFCC00  }
0xfe: {  	[hbm4b:s13+s5] =	stream.linear.scatter [tilespmem:s14], [sflag:$0xA], $0x3400, $0x38;
	[tilespmem:$0x11300] =	vst v63  }
0xff: {  	s24 =	simm.s32 $0x6;
	s0 =	sadd.s32 s3, s0  }
0x100: {  	[hbm4b:s0+s5] =	stream.linear.scatter [tilespmem:s14], [sflag:$0xA], $0x3400, $0x38;
	[tilespmem:$0x11300] =	vst v63  }
0x101: {  	_ =	swait.ge [sflag:s24], $0x3400  }
0x102: {  	[sflag:s24] =	ssyncset.done $0x0  }
0x103: {  	[sflag:s24] =	ssyncadd.s32 $0xFFFFCC00  }
0x104: {  	_ =	swait.ge [sflag:s24], $0x3400  }
0x105: {  	[sflag:s24] =	ssyncset.done $0x0  }
0x106: {  	s25 =	simm.s32 $0x7;
	[sflag:s24] =	ssyncadd.s32 $0xFFFFCC00  }
0x107: {  	_ =	swait.ge [sflag:s25], $0x3400  }
0x108: {  	[sflag:s25] =	ssyncset.done $0x0  }
0x109: {  	[sflag:s25] =	ssyncadd.s32 $0xFFFFCC00  }
0x10a: {  	_ =	swait.ge [sflag:s25], $0x3400  }
0x10b: {  	[sflag:s25] =	ssyncset.done $0x0  }
0x10c: {  	s26 =	simm.s32 $0x8;
	[sflag:s25] =	ssyncadd.s32 $0xFFFFCC00  }
0x10d: {  	_ =	swait.ge [sflag:s26], $0x3400  }
0x10e: {  	[sflag:s26] =	ssyncset.done $0x0  }
0x10f: {  	[sflag:s26] =	ssyncadd.s32 $0xFFFFCC00  }
0x110: {  	_ =	swait.ge [sflag:s26], $0x3400  }
0x111: {  	[sflag:s26] =	ssyncset.done $0x0  }
0x112: {  	s28 =	simm.s32 $0x9;
	[sflag:s26] =	ssyncadd.s32 $0xFFFFCC00  }
0x113: {  	_ =	swait.ge [sflag:s28], $0x3400  }
0x114: {  	[sflag:s28] =	ssyncset.done $0x0  }
0x115: {  	[sflag:s28] =	ssyncadd.s32 $0xFFFFCC00  }
0x116: {  	_ =	swait.ge [sflag:s28], $0x3400  }
0x117: {  	[sflag:s28] =	ssyncset.done $0x0  }
0x118: {  	s29 =	simm.s32 $0xA;
	[sflag:s28] =	ssyncadd.s32 $0xFFFFCC00  }
0x119: {  	_ =	swait.ge [sflag:s29], $0x3400  }
0x11a: {  	[sflag:s29] =	ssyncset.done $0x0  }
0x11b: {  	[sflag:s29] =	ssyncadd.s32 $0xFFFFCC00  }
0x11c: {  	_ =	swait.ge [sflag:s29], $0x3400  }
0x11d: {  	s1 =	simm.s32 @!p1 $0xC80;
	[sflag:s29] =	ssyncset.done $0x0  }
0x11e: {  	s0 =	simm.s32 @!p1 $0x0;
	s7 =	rddreg [dreg:$0x8];
	[sflag:s29] =	ssyncadd.s32 $0xFFFFCC00  }
0x11f: {  	[tilespmem:s1], [sflag:$0xB] =	stream.linear.gather @!p1 [hbm4b:s7+s0], $0x8, $0x38;
	[tilespmem:$0x11300] =	vst v63  }
0x120: {  	s7 =	simm.s32 @!p1 $0xB  }
0x121: {  	_ =	swait.ge @!p1 [sflag:s7], $0x8  }
0x122: {  	[sflag:s7] =	ssyncset.done @!p1 $0x0  }
0x123: {  	s8 =	simm.s32 @!p1 $0x8;
	s9 =	simm.s32 @!p1 $0xD00;
	[sflag:s7] =	ssyncadd.s32 @!p1 $0xFFFFFFF8  }
0x124: {  	[tilespmem:s9], [sflag:$0x1] =	stream.indirect.gather @!p1 [spmem:s4], $0x80, s1, s8, $0xb8;
	[tilespmem:$0x11300] =	vst v63  }
0x125: {  	s1 =	simm.s32 @!p1 $0x1  }
0x126: {  	_ =	swait.ge @!p1 [sflag:s1], $0x400  }
0x127: {  	[sflag:s1] =	ssyncset.done @!p1 $0x0  }
0x128: {  	[sflag:s1] =	ssyncadd.s32 @!p1 $0xFFFFFC00;
	s1 =	rddreg [dreg:$0x9]  }
0x129: {  	[hbm4b:s1+s0] =	stream.linear.scatter @!p1 [tilespmem:s9], [sflag:$0xB], $0x400, $0x38;
	[tilespmem:$0x11300] =	vst v63  }
0x12a: {  	_ =	swait.ge @!p1 [sflag:s7], $0x400  }
0x12b: {  	[sflag:s7] =	ssyncset.done @!p1 $0x0  }
0x12c: {  	s1 =	rddreg [dreg:$0xa];
	[sflag:s7] =	ssyncadd.s32 @!p1 $0xFFFFFC00  }
0x12d: {  	[hbm4b:s1+s0] =	stream.linear.scatter @!p1 [tilespmem:s9], [sflag:$0xB], $0x400, $0x38;
	[tilespmem:$0x11300] =	vst v63  }
0x12e: {  	_ =	swait.ge @!p1 [sflag:s7], $0x400  }
0x12f: {  	s30 =	rddreg [dreg:$0xd]  }
0x130: {  	s31 =	rddreg [dreg:$0xb];
	s1 =	sadd.s32 $0x1, s30  }
0x131: {  	p2 =	sne.s32 s1, s31  }
.Ltmp1:
0x132: {  	_ = 	snop;
	(pc) =	sbr.rel @p2 .LBB2_1-.Ltmp1, $3  }
0x133: {  	_ =	sdelay $0x1  }
0x134: {  	[sflag:s7] =	ssyncset.done @!p1 $0x0  }
0x135: {  	[sflag:s7] =	ssyncadd.s32 @!p1 $0xFFFFFC00  }
0x136: {  	_ =	sfence.sel $0x180000  }
0x137: {  	[bflag:$0x0] =	sbarrier.arrive $0xFFFF  }
0x138: {  	_ =	strace $0x90000047  }
0x139: {  	[bflag:$0x2] =	sbarrier.arrive $0xFFFF  }
0x13a: {  	s0 =	rddreg [dreg:$0x5]  }
0x13b: {  	s0 =	sadd.s32 @!p0 $0x100000, s0  }
0x13c: {  	[sflag:s0] =	ssyncadd.tile.s32 @!p0 $0x1;
	_ =	shalt  }
.Lfunc_end2:
_tile_overlayer_lowered:
.L_overlay_start_2:
0x13d: {  	(tag) =	ssettag $0x2  }
0x13e: {  	s0 =	rddreg [dreg:$0x0];
	s2 =	stileid.u32  }
0x13f: {  	s1 =	rddreg [dreg:$0x1];
	p0 =	sne.s32 s2, $0x0  }
0x140: {  	s3 =	rddreg [dreg:$0x2];
	[bflag:$0x3] =	sbarrier.arrive $0xFFFF;
	s2 =	simm.s32 @!p0 $0x1C0B  }
0x141: {  	[timem:s3], [sflag:s2] =	dma.local @!p0 [hbm:s0], s1  }
0x142: {  	s0 =	simm.s32 @!p0 $0xB  }
0x143: {  	_ =	swait.ge @!p0 [sflag:s0], s1  }
0x144: {  	s1 =	ssub.s32 @!p0 $0x0, s1;
	[sflag:s0] =	ssyncset.done @!p0 $0x0  }
0x145: {  	[sflag:s0] =	ssyncadd.s32 @!p0 s1  }
0x146: {  	[bflag:$0x3] =	sbarrier.arrive $0xFFFF  }
0x147: {  	_ =	shalt  }

</sc_bundles>
